<compile_context>
chip_gen: v7x
topology: tpu7x:2x2x1
jax: 0.10.2.dev20260603
libtpu: 0.0.44.dev20260713+nightly
codegen_flags: <defaults>
</compile_context>

<pallas_src>
import functools

import jax
import jax.numpy as jnp
from jax import lax
from jax.experimental import pallas as pl
from jax.experimental.pallas import tpu as pltpu
from jax.experimental.pallas import tpu_sc as plsc

B = 16384
D = 128
V = 1000
VPAD = 1024

SC_ROWS = 8192
TC_ROWS = B - SC_ROWS

NW = 32
BPW = SC_ROWS // NW
CHUNK = 128
NCHUNK = BPW // CHUNK
L = 16
NLOADERS = 8

TC_BLOCK = 1024

_mesh = plsc.VectorSubcoreMesh(core_axis_name="c", subcore_axis_name="s")


@functools.partial(
    pl.kernel,
    mesh=_mesh,
    out_type=jax.ShapeDtypeStruct((SC_ROWS,), jnp.float32),
    scratch_types=[
        pltpu.VMEM((NCHUNK, CHUNK), jnp.int32),
        pltpu.VMEM((2, CHUNK, D), jnp.float32),
        pltpu.VMEM((2, CHUNK, D), jnp.float32),
        pltpu.VMEM((BPW,), jnp.float32),
        pltpu.VMEM((L * L,), jnp.float32),
        pltpu.VMEM_SHARED((V, D), jnp.float32),
        pltpu.SemaphoreType.DMA,
        pltpu.SemaphoreType.DMA,
        pltpu.SemaphoreType.DMA,
        pltpu.SemaphoreType.DMA,
        pltpu.SemaphoreType.DMA,
        pltpu.SemaphoreType.DMA,
    ],
    compiler_params=pltpu.CompilerParams(
        needs_layout_passes=False, skip_device_barrier=True),
)
def _sc_reward_dot(psi_hbm, ids_hbm, w_hbm, out_hbm,
                   idx_v, w_v, psi_v, out_v, t_v, tbl_s,
                   sem_t, sem_i, sem_p0, sem_p1, sem_w0, sem_w1):
    sid = lax.axis_index("s")
    wid = sid * 2 + lax.axis_index("c")
    base = wid * BPW
    sems_p = (sem_p0, sem_p1)
    sems_w = (sem_w0, sem_w1)

    id_cps = []
    for c in range(NCHUNK):
        cp = pltpu.make_async_copy(
            ids_hbm.at[pl.ds(base + c * CHUNK, CHUNK)], idx_v.at[c], sem_i)
        cp.start()
        id_cps.append(cp)

    for t in range(NLOADERS):
        r0 = t * 128
        nr = min(128, V - r0)

        @pl.when(sid == t)
        def _load_table(r0=r0, nr=nr):
            pltpu.make_async_copy(
                w_hbm.at[pl.ds(r0, nr)], tbl_s.at[pl.ds(r0, nr)], sem_t).start()

    def start_psi(c):
        b = c & 1
        p = pltpu.make_async_copy(
            psi_hbm.at[pl.ds(base + c * CHUNK, CHUNK)], psi_v.at[b], sems_p[b])
        p.start()
        return p

    psi_cps = [start_psi(0), start_psi(1)]
    for cp in id_cps:
        cp.wait()
    for t in range(NLOADERS):
        r0 = t * 128
        nr = min(128, V - r0)

        @pl.when(sid == t)
        def _wait_table(r0=r0, nr=nr):
            pltpu.make_async_copy(
                w_hbm.at[pl.ds(r0, nr)], tbl_s.at[pl.ds(r0, nr)], sem_t).wait()

    plsc.subcore_barrier()

    def start_w(c):
        b = c & 1
        w = pltpu.make_async_copy(tbl_s.at[idx_v.at[c]], w_v.at[b], sems_w[b])
        w.start()
        return w

    cps = [(psi_cps[0], start_w(0)), (psi_cps[1], start_w(1))]

    for c in range(NCHUNK):
        b = c & 1
        p_cp, w_cp = cps[b]
        p_cp.wait()
        w_cp.wait()

        def group_body(g, carry, b=b, c=c):
            def row_body(r, carry2, b=b, g=g):
                row = g * L + r
                acc = psi_v[b, row, pl.ds(0, L)] * w_v[b, row, pl.ds(0, L)]
                for k in range(1, D // L):
                    acc = acc + psi_v[b, row, pl.ds(k * L, L)] * w_v[b, row, pl.ds(k * L, L)]
                plsc.store_scatter(t_v, [lax.iota(jnp.int32, L) * L + r], acc)
                return carry2

            lax.fori_loop(0, L, row_body, 0, unroll=2)
            v = t_v[pl.ds(0, L)]
            for l in range(1, L):
                v = v + t_v[pl.ds(l * L, L)]
            out_v[pl.ds(c * CHUNK + g * L, L)] = v
            return carry

        lax.fori_loop(0, CHUNK // L, group_body, 0)
        if c + 2 < NCHUNK:
            cps[b] = (start_psi(c + 2), start_w(c + 2))

    pltpu.sync_copy(out_v, out_hbm.at[pl.ds(base, BPW)])


def _tc_body(psi_ref, ids_ref, w_ref, out_ref):
    ids_row = ids_ref[...].reshape(1, TC_BLOCK)
    q_t = lax.dot_general(
        w_ref[...], psi_ref[...].astype(jnp.bfloat16),
        (((1,), (1,)), ((), ())),
        preferred_element_type=jnp.float32)
    iota0 = lax.broadcasted_iota(jnp.int32, (VPAD, TC_BLOCK), 0)
    masked = jnp.where(iota0 == ids_row, q_t, 0.0)
    out_ref[...] = jnp.sum(masked, axis=0)


_tc_gather_dot = pl.pallas_call(
    _tc_body,
    grid=(TC_ROWS // TC_BLOCK,),
    in_specs=[
        pl.BlockSpec((TC_BLOCK, D), lambda i: (SC_ROWS // TC_BLOCK + i, 0)),
        pl.BlockSpec((TC_BLOCK,), lambda i: (SC_ROWS // TC_BLOCK + i,)),
        pl.BlockSpec((VPAD, D), lambda i: (0, 0)),
    ],
    out_specs=pl.BlockSpec((TC_BLOCK,), lambda i: (i,)),
    out_shape=jax.ShapeDtypeStruct((TC_ROWS,), jnp.float32),
)


def kernel(psi, task_ids, weights):
    ids = task_ids.astype(jnp.int32)
    sc_out = _sc_reward_dot(psi, ids, weights)
    w_pad = jnp.zeros((VPAD, D), jnp.bfloat16).at[:V].set(
        weights.astype(jnp.bfloat16))
    tc_out = _tc_gather_dot(psi, ids, w_pad)
    return jnp.concatenate([sc_out, tc_out])

# --- scband reference (transcript-rebuilt; emitter-appended) ---
"""Pipeline reference for scband-reward-weight-bank-36180804501664 (READ-ONLY COPY).

The authoritative reference and input builder live on the scoring server;
editing this copy changes nothing except your own understanding.
"""

import jax, jax.numpy as jnp
import numpy as np

NUM_TASKS = 1000
SF_DIM = 128
BATCH = 16384


def setup_inputs(seed: int = 0) -> dict:
    key = jax.random.key(seed)
    k_psi, k_ids, k_w = jax.random.split(key, 3)
    psi = jax.random.normal(k_psi, (BATCH, SF_DIM), dtype=jnp.float32)
    task_ids = jax.random.randint(k_ids, (BATCH,), 0, NUM_TASKS, dtype=jnp.int64)
    # nn.Embedding default init: N(0, 1)
    weights = jax.random.normal(k_w, (NUM_TASKS, SF_DIM), dtype=jnp.float32)
    return {"psi": psi, "task_ids": task_ids, "weights": weights}


def reference(psi, task_ids, weights):
    # w = self.weights(task_ids)  -> embedding lookup (gather)
    w = jnp.take(weights, task_ids, axis=0)
    # (psi * w).sum(dim=-1)
    return jnp.sum(psi * w, axis=-1)

if __name__ == "__main__":
    import jax
    _d = setup_inputs()
    print(jax.jit(kernel)(*tuple(_d.values())))

</pallas_src>

<mosaic_0001>
#map = affine_map<(d0, d1) -> (0, 0)>
#map1 = affine_map<(d0, d1) -> (0)>
module attributes {stable_mosaic.version = 14 : i64} {
  func.func @_sc_reward_dot(%arg0: i32, %arg1: i32, %arg2: memref<16384x128xf32, #tpu.memory_space<hbm>>, %arg3: memref<16384xi32, #tpu.memory_space<hbm>>, %arg4: memref<1000x128xf32, #tpu.memory_space<hbm>>, %arg5: memref<8192xf32, #tpu.memory_space<hbm>>, %arg6: memref<2x128xi32, #tpu.memory_space<vmem>>, %arg7: memref<2x128x128xf32, #tpu.memory_space<vmem>>, %arg8: memref<2x128x128xf32, #tpu.memory_space<vmem>>, %arg9: memref<256xf32, #tpu.memory_space<vmem>>, %arg10: memref<256xf32, #tpu.memory_space<vmem>>, %arg11: memref<1000x128xf32, #tpu.memory_space<vmem_shared>>, %arg12: memref<!tpu.dma_semaphore, #tpu.memory_space<semaphore_mem>>, %arg13: memref<!tpu.dma_semaphore, #tpu.memory_space<semaphore_mem>>, %arg14: memref<!tpu.dma_semaphore, #tpu.memory_space<semaphore_mem>>, %arg15: memref<!tpu.dma_semaphore, #tpu.memory_space<semaphore_mem>>, %arg16: memref<!tpu.dma_semaphore, #tpu.memory_space<semaphore_mem>>, %arg17: memref<!tpu.dma_semaphore, #tpu.memory_space<semaphore_mem>>) attributes {dimension_semantics = [#tpu.dimension_semantics<core_parallel>, #tpu.dimension_semantics<subcore_parallel>], iteration_bounds = array<i64: 2, 16>, scalar_prefetch = 0 : i64, scratch_operands = 12 : i64, tpu.core_type = #tpu.core_type<sc_vector_subcore>, window_params = [{transform_indices = #map}, {transform_indices = #map1}, {transform_indices = #map}, {transform_indices = #map1}]} {
    %mul3A = arith.constant 2 : i32
    %mul3A_0 = arith.muli %arg1, %mul3A : i32
    %add3A = arith.addi %mul3A_0, %arg0 : i32
    %mul3A_1 = arith.constant 256 : i32
    %mul3A_2 = arith.muli %add3A, %mul3A_1 : i32
    %add3A_3 = arith.constant 0 : i32
    %add3A_4 = arith.addi %mul3A_2, %add3A_3 : i32
    %dma_start3A = arith.constant 0 : i32
    %dma_start3A_5 = arith.constant 0 : i32
    %dma_start3A_6 = tpu.memref_slice %arg6[%dma_start3A, %dma_start3A_5] : memref<2x128xi32, #tpu.memory_space<vmem>> -> memref<1x128xi32, #tpu.memory_space<vmem>>
    %dma_start3A_7 = tpu.memref_squeeze %dma_start3A_6 : memref<1x128xi32, #tpu.memory_space<vmem>> -> memref<128xi32, #tpu.memory_space<vmem>>
    %dma_start3A_8 = tpu.memref_slice %arg3[%add3A_4] : memref<16384xi32, #tpu.memory_space<hbm>> -> memref<128xi32, #tpu.memory_space<hbm>>
    %dma_start3A_9 = arith.constant 0 : i32
    %dma_start3A_10 = tpu.memref_slice %arg6[%dma_start3A, %dma_start3A_9] : memref<2x128xi32, #tpu.memory_space<vmem>> -> memref<1x128xi32, #tpu.memory_space<vmem>>
    %dma_start3A_11 = tpu.memref_squeeze %dma_start3A_10 : memref<1x128xi32, #tpu.memory_space<vmem>> -> memref<128xi32, #tpu.memory_space<vmem>>
    %dma_start3A_12 = tpu.memref_slice %arg3[%add3A_4] : memref<16384xi32, #tpu.memory_space<hbm>> -> memref<128xi32, #tpu.memory_space<hbm>>
    tpu.enqueue_dma source(%dma_start3A_12 : memref<128xi32, #tpu.memory_space<hbm>>) target(%dma_start3A_11 : memref<128xi32, #tpu.memory_space<vmem>>) target_semaphore(%arg13 : memref<!tpu.dma_semaphore, #tpu.memory_space<semaphore_mem>>)
    %add3A_13 = arith.constant 128 : i32
    %add3A_14 = arith.addi %mul3A_2, %add3A_13 : i32
    %dma_start3A_15 = arith.constant 1 : i32
    %dma_start3A_16 = arith.constant 0 : i32
    %dma_start3A_17 = tpu.memref_slice %arg6[%dma_start3A_15, %dma_start3A_16] : memref<2x128xi32, #tpu.memory_space<vmem>> -> memref<1x128xi32, #tpu.memory_space<vmem>>
    %dma_start3A_18 = tpu.memref_squeeze %dma_start3A_17 : memref<1x128xi32, #tpu.memory_space<vmem>> -> memref<128xi32, #tpu.memory_space<vmem>>
    %dma_start3A_19 = tpu.memref_slice %arg3[%add3A_14] : memref<16384xi32, #tpu.memory_space<hbm>> -> memref<128xi32, #tpu.memory_space<hbm>>
    %dma_start3A_20 = arith.constant 0 : i32
    %dma_start3A_21 = tpu.memref_slice %arg6[%dma_start3A_15, %dma_start3A_20] : memref<2x128xi32, #tpu.memory_space<vmem>> -> memref<1x128xi32, #tpu.memory_space<vmem>>
    %dma_start3A_22 = tpu.memref_squeeze %dma_start3A_21 : memref<1x128xi32, #tpu.memory_space<vmem>> -> memref<128xi32, #tpu.memory_space<vmem>>
    %dma_start3A_23 = tpu.memref_slice %arg3[%add3A_14] : memref<16384xi32, #tpu.memory_space<hbm>> -> memref<128xi32, #tpu.memory_space<hbm>>
    tpu.enqueue_dma source(%dma_start3A_23 : memref<128xi32, #tpu.memory_space<hbm>>) target(%dma_start3A_22 : memref<128xi32, #tpu.memory_space<vmem>>) target_semaphore(%arg13 : memref<!tpu.dma_semaphore, #tpu.memory_space<semaphore_mem>>)
    %eq3A = arith.constant 0 : i32
    %eq3A_24 = arith.cmpi eq, %arg1, %eq3A : i32
    %convert_element_type3A = arith.extui %eq3A_24 : i1 to i32
    %cond3A = arith.constant 0 : i32
    %cond3A_25 = arith.cmpi ne, %convert_element_type3A, %cond3A : i32
    scf.if %cond3A_25 {
      %dma_start3A_233 = arith.constant 0 : i32
      %dma_start3A_234 = arith.constant 0 : i32
      %dma_start3A_235 = tpu.memref_slice %arg11[%dma_start3A_233, %dma_start3A_234] : memref<1000x128xf32, #tpu.memory_space<vmem_shared>> -> memref<128x128xf32, #tpu.memory_space<vmem_shared>>
      %dma_start3A_236 = arith.constant 0 : i32
      %dma_start3A_237 = arith.constant 0 : i32
      %dma_start3A_238 = tpu.memref_slice %arg4[%dma_start3A_236, %dma_start3A_237] : memref<1000x128xf32, #tpu.memory_space<hbm>> -> memref<128x128xf32, #tpu.memory_space<hbm>>
      tpu.enqueue_dma source(%dma_start3A_238 : memref<128x128xf32, #tpu.memory_space<hbm>>) target(%dma_start3A_235 : memref<128x128xf32, #tpu.memory_space<vmem_shared>>) target_semaphore(%arg12 : memref<!tpu.dma_semaphore, #tpu.memory_space<semaphore_mem>>)
    } else {
    }
    %eq3A_26 = arith.constant 1 : i32
    %eq3A_27 = arith.cmpi eq, %arg1, %eq3A_26 : i32
    %convert_element_type3A_28 = arith.extui %eq3A_27 : i1 to i32
    %cond3A_29 = arith.constant 0 : i32
    %cond3A_30 = arith.cmpi ne, %convert_element_type3A_28, %cond3A_29 : i32
    scf.if %cond3A_30 {
      %dma_start3A_233 = arith.constant 128 : i32
      %dma_start3A_234 = arith.constant 0 : i32
      %dma_start3A_235 = tpu.memref_slice %arg11[%dma_start3A_233, %dma_start3A_234] : memref<1000x128xf32, #tpu.memory_space<vmem_shared>> -> memref<128x128xf32, #tpu.memory_space<vmem_shared>>
      %dma_start3A_236 = arith.constant 128 : i32
      %dma_start3A_237 = arith.constant 0 : i32
      %dma_start3A_238 = tpu.memref_slice %arg4[%dma_start3A_236, %dma_start3A_237] : memref<1000x128xf32, #tpu.memory_space<hbm>> -> memref<128x128xf32, #tpu.memory_space<hbm>>
      tpu.enqueue_dma source(%dma_start3A_238 : memref<128x128xf32, #tpu.memory_space<hbm>>) target(%dma_start3A_235 : memref<128x128xf32, #tpu.memory_space<vmem_shared>>) target_semaphore(%arg12 : memref<!tpu.dma_semaphore, #tpu.memory_space<semaphore_mem>>)
    } else {
    }
    %eq3A_31 = arith.constant 2 : i32
    %eq3A_32 = arith.cmpi eq, %arg1, %eq3A_31 : i32
    %convert_element_type3A_33 = arith.extui %eq3A_32 : i1 to i32
    %cond3A_34 = arith.constant 0 : i32
    %cond3A_35 = arith.cmpi ne, %convert_element_type3A_33, %cond3A_34 : i32
    scf.if %cond3A_35 {
      %dma_start3A_233 = arith.constant 256 : i32
      %dma_start3A_234 = arith.constant 0 : i32
      %dma_start3A_235 = tpu.memref_slice %arg11[%dma_start3A_233, %dma_start3A_234] : memref<1000x128xf32, #tpu.memory_space<vmem_shared>> -> memref<128x128xf32, #tpu.memory_space<vmem_shared>>
      %dma_start3A_236 = arith.constant 256 : i32
      %dma_start3A_237 = arith.constant 0 : i32
      %dma_start3A_238 = tpu.memref_slice %arg4[%dma_start3A_236, %dma_start3A_237] : memref<1000x128xf32, #tpu.memory_space<hbm>> -> memref<128x128xf32, #tpu.memory_space<hbm>>
      tpu.enqueue_dma source(%dma_start3A_238 : memref<128x128xf32, #tpu.memory_space<hbm>>) target(%dma_start3A_235 : memref<128x128xf32, #tpu.memory_space<vmem_shared>>) target_semaphore(%arg12 : memref<!tpu.dma_semaphore, #tpu.memory_space<semaphore_mem>>)
    } else {
    }
    %eq3A_36 = arith.constant 3 : i32
    %eq3A_37 = arith.cmpi eq, %arg1, %eq3A_36 : i32
    %convert_element_type3A_38 = arith.extui %eq3A_37 : i1 to i32
    %cond3A_39 = arith.constant 0 : i32
    %cond3A_40 = arith.cmpi ne, %convert_element_type3A_38, %cond3A_39 : i32
    scf.if %cond3A_40 {
      %dma_start3A_233 = arith.constant 384 : i32
      %dma_start3A_234 = arith.constant 0 : i32
      %dma_start3A_235 = tpu.memref_slice %arg11[%dma_start3A_233, %dma_start3A_234] : memref<1000x128xf32, #tpu.memory_space<vmem_shared>> -> memref<128x128xf32, #tpu.memory_space<vmem_shared>>
      %dma_start3A_236 = arith.constant 384 : i32
      %dma_start3A_237 = arith.constant 0 : i32
      %dma_start3A_238 = tpu.memref_slice %arg4[%dma_start3A_236, %dma_start3A_237] : memref<1000x128xf32, #tpu.memory_space<hbm>> -> memref<128x128xf32, #tpu.memory_space<hbm>>
      tpu.enqueue_dma source(%dma_start3A_238 : memref<128x128xf32, #tpu.memory_space<hbm>>) target(%dma_start3A_235 : memref<128x128xf32, #tpu.memory_space<vmem_shared>>) target_semaphore(%arg12 : memref<!tpu.dma_semaphore, #tpu.memory_space<semaphore_mem>>)
    } else {
    }
    %eq3A_41 = arith.constant 4 : i32
    %eq3A_42 = arith.cmpi eq, %arg1, %eq3A_41 : i32
    %convert_element_type3A_43 = arith.extui %eq3A_42 : i1 to i32
    %cond3A_44 = arith.constant 0 : i32
    %cond3A_45 = arith.cmpi ne, %convert_element_type3A_43, %cond3A_44 : i32
    scf.if %cond3A_45 {
      %dma_start3A_233 = arith.constant 512 : i32
      %dma_start3A_234 = arith.constant 0 : i32
      %dma_start3A_235 = tpu.memref_slice %arg11[%dma_start3A_233, %dma_start3A_234] : memref<1000x128xf32, #tpu.memory_space<vmem_shared>> -> memref<128x128xf32, #tpu.memory_space<vmem_shared>>
      %dma_start3A_236 = arith.constant 512 : i32
      %dma_start3A_237 = arith.constant 0 : i32
      %dma_start3A_238 = tpu.memref_slice %arg4[%dma_start3A_236, %dma_start3A_237] : memref<1000x128xf32, #tpu.memory_space<hbm>> -> memref<128x128xf32, #tpu.memory_space<hbm>>
      tpu.enqueue_dma source(%dma_start3A_238 : memref<128x128xf32, #tpu.memory_space<hbm>>) target(%dma_start3A_235 : memref<128x128xf32, #tpu.memory_space<vmem_shared>>) target_semaphore(%arg12 : memref<!tpu.dma_semaphore, #tpu.memory_space<semaphore_mem>>)
    } else {
    }
    %eq3A_46 = arith.constant 5 : i32
    %eq3A_47 = arith.cmpi eq, %arg1, %eq3A_46 : i32
    %convert_element_type3A_48 = arith.extui %eq3A_47 : i1 to i32
    %cond3A_49 = arith.constant 0 : i32
    %cond3A_50 = arith.cmpi ne, %convert_element_type3A_48, %cond3A_49 : i32
    scf.if %cond3A_50 {
      %dma_start3A_233 = arith.constant 640 : i32
      %dma_start3A_234 = arith.constant 0 : i32
      %dma_start3A_235 = tpu.memref_slice %arg11[%dma_start3A_233, %dma_start3A_234] : memref<1000x128xf32, #tpu.memory_space<vmem_shared>> -> memref<128x128xf32, #tpu.memory_space<vmem_shared>>
      %dma_start3A_236 = arith.constant 640 : i32
      %dma_start3A_237 = arith.constant 0 : i32
      %dma_start3A_238 = tpu.memref_slice %arg4[%dma_start3A_236, %dma_start3A_237] : memref<1000x128xf32, #tpu.memory_space<hbm>> -> memref<128x128xf32, #tpu.memory_space<hbm>>
      tpu.enqueue_dma source(%dma_start3A_238 : memref<128x128xf32, #tpu.memory_space<hbm>>) target(%dma_start3A_235 : memref<128x128xf32, #tpu.memory_space<vmem_shared>>) target_semaphore(%arg12 : memref<!tpu.dma_semaphore, #tpu.memory_space<semaphore_mem>>)
    } else {
    }
    %eq3A_51 = arith.constant 6 : i32
    %eq3A_52 = arith.cmpi eq, %arg1, %eq3A_51 : i32
    %convert_element_type3A_53 = arith.extui %eq3A_52 : i1 to i32
    %cond3A_54 = arith.constant 0 : i32
    %cond3A_55 = arith.cmpi ne, %convert_element_type3A_53, %cond3A_54 : i32
    scf.if %cond3A_55 {
      %dma_start3A_233 = arith.constant 768 : i32
      %dma_start3A_234 = arith.constant 0 : i32
      %dma_start3A_235 = tpu.memref_slice %arg11[%dma_start3A_233, %dma_start3A_234] : memref<1000x128xf32, #tpu.memory_space<vmem_shared>> -> memref<128x128xf32, #tpu.memory_space<vmem_shared>>
      %dma_start3A_236 = arith.constant 768 : i32
      %dma_start3A_237 = arith.constant 0 : i32
      %dma_start3A_238 = tpu.memref_slice %arg4[%dma_start3A_236, %dma_start3A_237] : memref<1000x128xf32, #tpu.memory_space<hbm>> -> memref<128x128xf32, #tpu.memory_space<hbm>>
      tpu.enqueue_dma source(%dma_start3A_238 : memref<128x128xf32, #tpu.memory_space<hbm>>) target(%dma_start3A_235 : memref<128x128xf32, #tpu.memory_space<vmem_shared>>) target_semaphore(%arg12 : memref<!tpu.dma_semaphore, #tpu.memory_space<semaphore_mem>>)
    } else {
    }
    %eq3A_56 = arith.constant 7 : i32
    %eq3A_57 = arith.cmpi eq, %arg1, %eq3A_56 : i32
    %convert_element_type3A_58 = arith.extui %eq3A_57 : i1 to i32
    %cond3A_59 = arith.constant 0 : i32
    %cond3A_60 = arith.cmpi ne, %convert_element_type3A_58, %cond3A_59 : i32
    scf.if %cond3A_60 {
      %dma_start3A_233 = arith.constant 896 : i32
      %dma_start3A_234 = arith.constant 0 : i32
      %dma_start3A_235 = tpu.memref_slice %arg11[%dma_start3A_233, %dma_start3A_234] : memref<1000x128xf32, #tpu.memory_space<vmem_shared>> -> memref<104x128xf32, #tpu.memory_space<vmem_shared>>
      %dma_start3A_236 = arith.constant 896 : i32
      %dma_start3A_237 = arith.constant 0 : i32
      %dma_start3A_238 = tpu.memref_slice %arg4[%dma_start3A_236, %dma_start3A_237] : memref<1000x128xf32, #tpu.memory_space<hbm>> -> memref<104x128xf32, #tpu.memory_space<hbm>>
      tpu.enqueue_dma source(%dma_start3A_238 : memref<104x128xf32, #tpu.memory_space<hbm>>) target(%dma_start3A_235 : memref<104x128xf32, #tpu.memory_space<vmem_shared>>) target_semaphore(%arg12 : memref<!tpu.dma_semaphore, #tpu.memory_space<semaphore_mem>>)
    } else {
    }
    %add3A_61 = arith.constant 0 : i32
    %add3A_62 = arith.addi %mul3A_2, %add3A_61 : i32
    %dma_start3A_63 = arith.constant 0 : i32
    %dma_start3A_64 = arith.constant 0 : i32
    %dma_start3A_65 = arith.constant 0 : i32
    %dma_start3A_66 = tpu.memref_slice %arg8[%dma_start3A_63, %dma_start3A_64, %dma_start3A_65] : memref<2x128x128xf32, #tpu.memory_space<vmem>> -> memref<1x128x128xf32, #tpu.memory_space<vmem>>
    %dma_start3A_67 = tpu.memref_squeeze %dma_start3A_66 : memref<1x128x128xf32, #tpu.memory_space<vmem>> -> memref<128x128xf32, #tpu.memory_space<vmem>>
    %dma_start3A_68 = arith.constant 0 : i32
    %dma_start3A_69 = tpu.memref_slice %arg2[%add3A_62, %dma_start3A_68] : memref<16384x128xf32, #tpu.memory_space<hbm>> -> memref<128x128xf32, #tpu.memory_space<hbm>>
    %dma_start3A_70 = arith.constant 0 : i32
    %dma_start3A_71 = arith.constant 0 : i32
    %dma_start3A_72 = tpu.memref_slice %arg8[%dma_start3A_63, %dma_start3A_70, %dma_start3A_71] : memref<2x128x128xf32, #tpu.memory_space<vmem>> -> memref<1x128x128xf32, #tpu.memory_space<vmem>>
    %dma_start3A_73 = tpu.memref_squeeze %dma_start3A_72 : memref<1x128x128xf32, #tpu.memory_space<vmem>> -> memref<128x128xf32, #tpu.memory_space<vmem>>
    %dma_start3A_74 = arith.constant 0 : i32
    %dma_start3A_75 = tpu.memref_slice %arg2[%add3A_62, %dma_start3A_74] : memref<16384x128xf32, #tpu.memory_space<hbm>> -> memref<128x128xf32, #tpu.memory_space<hbm>>
    tpu.enqueue_dma source(%dma_start3A_75 : memref<128x128xf32, #tpu.memory_space<hbm>>) target(%dma_start3A_73 : memref<128x128xf32, #tpu.memory_space<vmem>>) target_semaphore(%arg14 : memref<!tpu.dma_semaphore, #tpu.memory_space<semaphore_mem>>)
    %add3A_76 = arith.constant 128 : i32
    %add3A_77 = arith.addi %mul3A_2, %add3A_76 : i32
    %dma_start3A_78 = arith.constant 1 : i32
    %dma_start3A_79 = arith.constant 0 : i32
    %dma_start3A_80 = arith.constant 0 : i32
    %dma_start3A_81 = tpu.memref_slice %arg8[%dma_start3A_78, %dma_start3A_79, %dma_start3A_80] : memref<2x128x128xf32, #tpu.memory_space<vmem>> -> memref<1x128x128xf32, #tpu.memory_space<vmem>>
    %dma_start3A_82 = tpu.memref_squeeze %dma_start3A_81 : memref<1x128x128xf32, #tpu.memory_space<vmem>> -> memref<128x128xf32, #tpu.memory_space<vmem>>
    %dma_start3A_83 = arith.constant 0 : i32
    %dma_start3A_84 = tpu.memref_slice %arg2[%add3A_77, %dma_start3A_83] : memref<16384x128xf32, #tpu.memory_space<hbm>> -> memref<128x128xf32, #tpu.memory_space<hbm>>
    %dma_start3A_85 = arith.constant 0 : i32
    %dma_start3A_86 = arith.constant 0 : i32
    %dma_start3A_87 = tpu.memref_slice %arg8[%dma_start3A_78, %dma_start3A_85, %dma_start3A_86] : memref<2x128x128xf32, #tpu.memory_space<vmem>> -> memref<1x128x128xf32, #tpu.memory_space<vmem>>
    %dma_start3A_88 = tpu.memref_squeeze %dma_start3A_87 : memref<1x128x128xf32, #tpu.memory_space<vmem>> -> memref<128x128xf32, #tpu.memory_space<vmem>>
    %dma_start3A_89 = arith.constant 0 : i32
    %dma_start3A_90 = tpu.memref_slice %arg2[%add3A_77, %dma_start3A_89] : memref<16384x128xf32, #tpu.memory_space<hbm>> -> memref<128x128xf32, #tpu.memory_space<hbm>>
    tpu.enqueue_dma source(%dma_start3A_90 : memref<128x128xf32, #tpu.memory_space<hbm>>) target(%dma_start3A_88 : memref<128x128xf32, #tpu.memory_space<vmem>>) target_semaphore(%arg15 : memref<!tpu.dma_semaphore, #tpu.memory_space<semaphore_mem>>)
    %dma_wait3A = arith.constant 0 : i32
    %dma_wait3A_91 = arith.constant 0 : i32
    %dma_wait3A_92 = tpu.memref_slice %arg6[%dma_wait3A, %dma_wait3A_91] : memref<2x128xi32, #tpu.memory_space<vmem>> -> memref<1x128xi32, #tpu.memory_space<vmem>>
    %dma_wait3A_93 = tpu.memref_squeeze %dma_wait3A_92 : memref<1x128xi32, #tpu.memory_space<vmem>> -> memref<128xi32, #tpu.memory_space<vmem>>
    %dma_wait3A_94 = tpu.memref_slice %arg3[%add3A_4] : memref<16384xi32, #tpu.memory_space<hbm>> -> memref<128xi32, #tpu.memory_space<hbm>>
    %dma_wait3A_95 = arith.constant 0 : i32
    %dma_wait3A_96 = tpu.memref_slice %arg6[%dma_wait3A, %dma_wait3A_95] : memref<2x128xi32, #tpu.memory_space<vmem>> -> memref<1x128xi32, #tpu.memory_space<vmem>>
    %dma_wait3A_97 = tpu.memref_squeeze %dma_wait3A_96 : memref<1x128xi32, #tpu.memory_space<vmem>> -> memref<128xi32, #tpu.memory_space<vmem>>
    %dma_wait3A_98 = tpu.memref_slice %arg3[%add3A_4] : memref<16384xi32, #tpu.memory_space<hbm>> -> memref<128xi32, #tpu.memory_space<hbm>>
    tpu.wait_dma2 semaphore(%arg13 : memref<!tpu.dma_semaphore, #tpu.memory_space<semaphore_mem>>) src(%dma_wait3A_98 : memref<128xi32, #tpu.memory_space<hbm>>) dst(%dma_wait3A_97 : memref<128xi32, #tpu.memory_space<vmem>>)
    %dma_wait3A_99 = arith.constant 1 : i32
    %dma_wait3A_100 = arith.constant 0 : i32
    %dma_wait3A_101 = tpu.memref_slice %arg6[%dma_wait3A_99, %dma_wait3A_100] : memref<2x128xi32, #tpu.memory_space<vmem>> -> memref<1x128xi32, #tpu.memory_space<vmem>>
    %dma_wait3A_102 = tpu.memref_squeeze %dma_wait3A_101 : memref<1x128xi32, #tpu.memory_space<vmem>> -> memref<128xi32, #tpu.memory_space<vmem>>
    %dma_wait3A_103 = tpu.memref_slice %arg3[%add3A_14] : memref<16384xi32, #tpu.memory_space<hbm>> -> memref<128xi32, #tpu.memory_space<hbm>>
    %dma_wait3A_104 = arith.constant 0 : i32
    %dma_wait3A_105 = tpu.memref_slice %arg6[%dma_wait3A_99, %dma_wait3A_104] : memref<2x128xi32, #tpu.memory_space<vmem>> -> memref<1x128xi32, #tpu.memory_space<vmem>>
    %dma_wait3A_106 = tpu.memref_squeeze %dma_wait3A_105 : memref<1x128xi32, #tpu.memory_space<vmem>> -> memref<128xi32, #tpu.memory_space<vmem>>
    %dma_wait3A_107 = tpu.memref_slice %arg3[%add3A_14] : memref<16384xi32, #tpu.memory_space<hbm>> -> memref<128xi32, #tpu.memory_space<hbm>>
    tpu.wait_dma2 semaphore(%arg13 : memref<!tpu.dma_semaphore, #tpu.memory_space<semaphore_mem>>) src(%dma_wait3A_107 : memref<128xi32, #tpu.memory_space<hbm>>) dst(%dma_wait3A_106 : memref<128xi32, #tpu.memory_space<vmem>>)
    %eq3A_108 = arith.constant 0 : i32
    %eq3A_109 = arith.cmpi eq, %arg1, %eq3A_108 : i32
    %convert_element_type3A_110 = arith.extui %eq3A_109 : i1 to i32
    %cond3A_111 = arith.constant 0 : i32
    %cond3A_112 = arith.cmpi ne, %convert_element_type3A_110, %cond3A_111 : i32
    scf.if %cond3A_112 {
      %dma_wait3A_233 = arith.constant 0 : i32
      %dma_wait3A_234 = arith.constant 0 : i32
      %dma_wait3A_235 = tpu.memref_slice %arg11[%dma_wait3A_233, %dma_wait3A_234] : memref<1000x128xf32, #tpu.memory_space<vmem_shared>> -> memref<128x128xf32, #tpu.memory_space<vmem_shared>>
      %dma_wait3A_236 = arith.constant 0 : i32
      %dma_wait3A_237 = arith.constant 0 : i32
      %dma_wait3A_238 = tpu.memref_slice %arg4[%dma_wait3A_236, %dma_wait3A_237] : memref<1000x128xf32, #tpu.memory_space<hbm>> -> memref<128x128xf32, #tpu.memory_space<hbm>>
      tpu.wait_dma2 semaphore(%arg12 : memref<!tpu.dma_semaphore, #tpu.memory_space<semaphore_mem>>) src(%dma_wait3A_238 : memref<128x128xf32, #tpu.memory_space<hbm>>) dst(%dma_wait3A_235 : memref<128x128xf32, #tpu.memory_space<vmem_shared>>)
    } else {
    }
    %eq3A_113 = arith.constant 1 : i32
    %eq3A_114 = arith.cmpi eq, %arg1, %eq3A_113 : i32
    %convert_element_type3A_115 = arith.extui %eq3A_114 : i1 to i32
    %cond3A_116 = arith.constant 0 : i32
    %cond3A_117 = arith.cmpi ne, %convert_element_type3A_115, %cond3A_116 : i32
    scf.if %cond3A_117 {
      %dma_wait3A_233 = arith.constant 128 : i32
      %dma_wait3A_234 = arith.constant 0 : i32
      %dma_wait3A_235 = tpu.memref_slice %arg11[%dma_wait3A_233, %dma_wait3A_234] : memref<1000x128xf32, #tpu.memory_space<vmem_shared>> -> memref<128x128xf32, #tpu.memory_space<vmem_shared>>
      %dma_wait3A_236 = arith.constant 128 : i32
      %dma_wait3A_237 = arith.constant 0 : i32
      %dma_wait3A_238 = tpu.memref_slice %arg4[%dma_wait3A_236, %dma_wait3A_237] : memref<1000x128xf32, #tpu.memory_space<hbm>> -> memref<128x128xf32, #tpu.memory_space<hbm>>
      tpu.wait_dma2 semaphore(%arg12 : memref<!tpu.dma_semaphore, #tpu.memory_space<semaphore_mem>>) src(%dma_wait3A_238 : memref<128x128xf32, #tpu.memory_space<hbm>>) dst(%dma_wait3A_235 : memref<128x128xf32, #tpu.memory_space<vmem_shared>>)
    } else {
    }
    %eq3A_118 = arith.constant 2 : i32
    %eq3A_119 = arith.cmpi eq, %arg1, %eq3A_118 : i32
    %convert_element_type3A_120 = arith.extui %eq3A_119 : i1 to i32
    %cond3A_121 = arith.constant 0 : i32
    %cond3A_122 = arith.cmpi ne, %convert_element_type3A_120, %cond3A_121 : i32
    scf.if %cond3A_122 {
      %dma_wait3A_233 = arith.constant 256 : i32
      %dma_wait3A_234 = arith.constant 0 : i32
      %dma_wait3A_235 = tpu.memref_slice %arg11[%dma_wait3A_233, %dma_wait3A_234] : memref<1000x128xf32, #tpu.memory_space<vmem_shared>> -> memref<128x128xf32, #tpu.memory_space<vmem_shared>>
      %dma_wait3A_236 = arith.constant 256 : i32
      %dma_wait3A_237 = arith.constant 0 : i32
      %dma_wait3A_238 = tpu.memref_slice %arg4[%dma_wait3A_236, %dma_wait3A_237] : memref<1000x128xf32, #tpu.memory_space<hbm>> -> memref<128x128xf32, #tpu.memory_space<hbm>>
      tpu.wait_dma2 semaphore(%arg12 : memref<!tpu.dma_semaphore, #tpu.memory_space<semaphore_mem>>) src(%dma_wait3A_238 : memref<128x128xf32, #tpu.memory_space<hbm>>) dst(%dma_wait3A_235 : memref<128x128xf32, #tpu.memory_space<vmem_shared>>)
    } else {
    }
    %eq3A_123 = arith.constant 3 : i32
    %eq3A_124 = arith.cmpi eq, %arg1, %eq3A_123 : i32
    %convert_element_type3A_125 = arith.extui %eq3A_124 : i1 to i32
    %cond3A_126 = arith.constant 0 : i32
    %cond3A_127 = arith.cmpi ne, %convert_element_type3A_125, %cond3A_126 : i32
    scf.if %cond3A_127 {
      %dma_wait3A_233 = arith.constant 384 : i32
      %dma_wait3A_234 = arith.constant 0 : i32
      %dma_wait3A_235 = tpu.memref_slice %arg11[%dma_wait3A_233, %dma_wait3A_234] : memref<1000x128xf32, #tpu.memory_space<vmem_shared>> -> memref<128x128xf32, #tpu.memory_space<vmem_shared>>
      %dma_wait3A_236 = arith.constant 384 : i32
      %dma_wait3A_237 = arith.constant 0 : i32
      %dma_wait3A_238 = tpu.memref_slice %arg4[%dma_wait3A_236, %dma_wait3A_237] : memref<1000x128xf32, #tpu.memory_space<hbm>> -> memref<128x128xf32, #tpu.memory_space<hbm>>
      tpu.wait_dma2 semaphore(%arg12 : memref<!tpu.dma_semaphore, #tpu.memory_space<semaphore_mem>>) src(%dma_wait3A_238 : memref<128x128xf32, #tpu.memory_space<hbm>>) dst(%dma_wait3A_235 : memref<128x128xf32, #tpu.memory_space<vmem_shared>>)
    } else {
    }
    %eq3A_128 = arith.constant 4 : i32
    %eq3A_129 = arith.cmpi eq, %arg1, %eq3A_128 : i32
    %convert_element_type3A_130 = arith.extui %eq3A_129 : i1 to i32
    %cond3A_131 = arith.constant 0 : i32
    %cond3A_132 = arith.cmpi ne, %convert_element_type3A_130, %cond3A_131 : i32
    scf.if %cond3A_132 {
      %dma_wait3A_233 = arith.constant 512 : i32
      %dma_wait3A_234 = arith.constant 0 : i32
      %dma_wait3A_235 = tpu.memref_slice %arg11[%dma_wait3A_233, %dma_wait3A_234] : memref<1000x128xf32, #tpu.memory_space<vmem_shared>> -> memref<128x128xf32, #tpu.memory_space<vmem_shared>>
      %dma_wait3A_236 = arith.constant 512 : i32
      %dma_wait3A_237 = arith.constant 0 : i32
      %dma_wait3A_238 = tpu.memref_slice %arg4[%dma_wait3A_236, %dma_wait3A_237] : memref<1000x128xf32, #tpu.memory_space<hbm>> -> memref<128x128xf32, #tpu.memory_space<hbm>>
      tpu.wait_dma2 semaphore(%arg12 : memref<!tpu.dma_semaphore, #tpu.memory_space<semaphore_mem>>) src(%dma_wait3A_238 : memref<128x128xf32, #tpu.memory_space<hbm>>) dst(%dma_wait3A_235 : memref<128x128xf32, #tpu.memory_space<vmem_shared>>)
    } else {
    }
    %eq3A_133 = arith.constant 5 : i32
    %eq3A_134 = arith.cmpi eq, %arg1, %eq3A_133 : i32
    %convert_element_type3A_135 = arith.extui %eq3A_134 : i1 to i32
    %cond3A_136 = arith.constant 0 : i32
    %cond3A_137 = arith.cmpi ne, %convert_element_type3A_135, %cond3A_136 : i32
    scf.if %cond3A_137 {
      %dma_wait3A_233 = arith.constant 640 : i32
      %dma_wait3A_234 = arith.constant 0 : i32
      %dma_wait3A_235 = tpu.memref_slice %arg11[%dma_wait3A_233, %dma_wait3A_234] : memref<1000x128xf32, #tpu.memory_space<vmem_shared>> -> memref<128x128xf32, #tpu.memory_space<vmem_shared>>
      %dma_wait3A_236 = arith.constant 640 : i32
      %dma_wait3A_237 = arith.constant 0 : i32
      %dma_wait3A_238 = tpu.memref_slice %arg4[%dma_wait3A_236, %dma_wait3A_237] : memref<1000x128xf32, #tpu.memory_space<hbm>> -> memref<128x128xf32, #tpu.memory_space<hbm>>
      tpu.wait_dma2 semaphore(%arg12 : memref<!tpu.dma_semaphore, #tpu.memory_space<semaphore_mem>>) src(%dma_wait3A_238 : memref<128x128xf32, #tpu.memory_space<hbm>>) dst(%dma_wait3A_235 : memref<128x128xf32, #tpu.memory_space<vmem_shared>>)
    } else {
    }
    %eq3A_138 = arith.constant 6 : i32
    %eq3A_139 = arith.cmpi eq, %arg1, %eq3A_138 : i32
    %convert_element_type3A_140 = arith.extui %eq3A_139 : i1 to i32
    %cond3A_141 = arith.constant 0 : i32
    %cond3A_142 = arith.cmpi ne, %convert_element_type3A_140, %cond3A_141 : i32
    scf.if %cond3A_142 {
      %dma_wait3A_233 = arith.constant 768 : i32
      %dma_wait3A_234 = arith.constant 0 : i32
      %dma_wait3A_235 = tpu.memref_slice %arg11[%dma_wait3A_233, %dma_wait3A_234] : memref<1000x128xf32, #tpu.memory_space<vmem_shared>> -> memref<128x128xf32, #tpu.memory_space<vmem_shared>>
      %dma_wait3A_236 = arith.constant 768 : i32
      %dma_wait3A_237 = arith.constant 0 : i32
      %dma_wait3A_238 = tpu.memref_slice %arg4[%dma_wait3A_236, %dma_wait3A_237] : memref<1000x128xf32, #tpu.memory_space<hbm>> -> memref<128x128xf32, #tpu.memory_space<hbm>>
      tpu.wait_dma2 semaphore(%arg12 : memref<!tpu.dma_semaphore, #tpu.memory_space<semaphore_mem>>) src(%dma_wait3A_238 : memref<128x128xf32, #tpu.memory_space<hbm>>) dst(%dma_wait3A_235 : memref<128x128xf32, #tpu.memory_space<vmem_shared>>)
    } else {
    }
    %eq3A_143 = arith.constant 7 : i32
    %eq3A_144 = arith.cmpi eq, %arg1, %eq3A_143 : i32
    %convert_element_type3A_145 = arith.extui %eq3A_144 : i1 to i32
    %cond3A_146 = arith.constant 0 : i32
    %cond3A_147 = arith.cmpi ne, %convert_element_type3A_145, %cond3A_146 : i32
    scf.if %cond3A_147 {
      %dma_wait3A_233 = arith.constant 896 : i32
      %dma_wait3A_234 = arith.constant 0 : i32
      %dma_wait3A_235 = tpu.memref_slice %arg11[%dma_wait3A_233, %dma_wait3A_234] : memref<1000x128xf32, #tpu.memory_space<vmem_shared>> -> memref<104x128xf32, #tpu.memory_space<vmem_shared>>
      %dma_wait3A_236 = arith.constant 896 : i32
      %dma_wait3A_237 = arith.constant 0 : i32
      %dma_wait3A_238 = tpu.memref_slice %arg4[%dma_wait3A_236, %dma_wait3A_237] : memref<1000x128xf32, #tpu.memory_space<hbm>> -> memref<104x128xf32, #tpu.memory_space<hbm>>
      tpu.wait_dma2 semaphore(%arg12 : memref<!tpu.dma_semaphore, #tpu.memory_space<semaphore_mem>>) src(%dma_wait3A_238 : memref<104x128xf32, #tpu.memory_space<hbm>>) dst(%dma_wait3A_235 : memref<104x128xf32, #tpu.memory_space<vmem_shared>>)
    } else {
    }
    %barrier3A = arith.constant 0 : index
    tpu.barrier barrier_id(%barrier3A)
    %dma_start3A_148 = arith.constant 0 : i32
    %dma_start3A_149 = arith.constant 0 : i32
    %dma_start3A_150 = arith.constant 0 : i32
    %dma_start3A_151 = arith.constant 0 : i32
    %dma_start3A_152 = tpu.memref_slice %arg7[%dma_start3A_149, %dma_start3A_150, %dma_start3A_151] : memref<2x128x128xf32, #tpu.memory_space<vmem>> -> memref<1x128x128xf32, #tpu.memory_space<vmem>>
    %dma_start3A_153 = tpu.memref_squeeze %dma_start3A_152 : memref<1x128x128xf32, #tpu.memory_space<vmem>> -> memref<128x128xf32, #tpu.memory_space<vmem>>
    %dma_start3A_154 = arith.constant 0 : i32
    %dma_start3A_155 = tpu.memref_slice %arg6[%dma_start3A_148, %dma_start3A_154] : memref<2x128xi32, #tpu.memory_space<vmem>> -> memref<1x128xi32, #tpu.memory_space<vmem>>
    %dma_start3A_156 = tpu.memref_squeeze %dma_start3A_155 : memref<1x128xi32, #tpu.memory_space<vmem>> -> memref<128xi32, #tpu.memory_space<vmem>>
    %dma_start3A_157 = arith.constant 0 : i32
    %dma_start3A_158 = arith.constant 0 : i32
    %dma_start3A_159 = tpu.memref_slice %arg11[%dma_start3A_157, %dma_start3A_158] : memref<1000x128xf32, #tpu.memory_space<vmem_shared>> -> memref<1000x128xf32, #tpu.memory_space<vmem_shared>>
    tpu.enqueue_indirect_dma source(%dma_start3A_159 : memref<1000x128xf32, #tpu.memory_space<vmem_shared>>) target(%dma_start3A_153 : memref<128x128xf32, #tpu.memory_space<vmem>>) offsets(%dma_start3A_156 : memref<128xi32, #tpu.memory_space<vmem>>) semaphore(%arg16 : memref<!tpu.dma_semaphore, #tpu.memory_space<semaphore_mem>>)
    %dma_start3A_160 = arith.constant 1 : i32
    %dma_start3A_161 = arith.constant 1 : i32
    %dma_start3A_162 = arith.constant 0 : i32
    %dma_start3A_163 = arith.constant 0 : i32
    %dma_start3A_164 = tpu.memref_slice %arg7[%dma_start3A_161, %dma_start3A_162, %dma_start3A_163] : memref<2x128x128xf32, #tpu.memory_space<vmem>> -> memref<1x128x128xf32, #tpu.memory_space<vmem>>
    %dma_start3A_165 = tpu.memref_squeeze %dma_start3A_164 : memref<1x128x128xf32, #tpu.memory_space<vmem>> -> memref<128x128xf32, #tpu.memory_space<vmem>>
    %dma_start3A_166 = arith.constant 0 : i32
    %dma_start3A_167 = tpu.memref_slice %arg6[%dma_start3A_160, %dma_start3A_166] : memref<2x128xi32, #tpu.memory_space<vmem>> -> memref<1x128xi32, #tpu.memory_space<vmem>>
    %dma_start3A_168 = tpu.memref_squeeze %dma_start3A_167 : memref<1x128xi32, #tpu.memory_space<vmem>> -> memref<128xi32, #tpu.memory_space<vmem>>
    %dma_start3A_169 = arith.constant 0 : i32
    %dma_start3A_170 = arith.constant 0 : i32
    %dma_start3A_171 = tpu.memref_slice %arg11[%dma_start3A_169, %dma_start3A_170] : memref<1000x128xf32, #tpu.memory_space<vmem_shared>> -> memref<1000x128xf32, #tpu.memory_space<vmem_shared>>
    tpu.enqueue_indirect_dma source(%dma_start3A_171 : memref<1000x128xf32, #tpu.memory_space<vmem_shared>>) target(%dma_start3A_165 : memref<128x128xf32, #tpu.memory_space<vmem>>) offsets(%dma_start3A_168 : memref<128xi32, #tpu.memory_space<vmem>>) semaphore(%arg17 : memref<!tpu.dma_semaphore, #tpu.memory_space<semaphore_mem>>)
    %dma_wait3A_172 = arith.constant 0 : i32
    %dma_wait3A_173 = arith.constant 0 : i32
    %dma_wait3A_174 = arith.constant 0 : i32
    %dma_wait3A_175 = tpu.memref_slice %arg8[%dma_wait3A_172, %dma_wait3A_173, %dma_wait3A_174] : memref<2x128x128xf32, #tpu.memory_space<vmem>> -> memref<1x128x128xf32, #tpu.memory_space<vmem>>
    %dma_wait3A_176 = tpu.memref_squeeze %dma_wait3A_175 : memref<1x128x128xf32, #tpu.memory_space<vmem>> -> memref<128x128xf32, #tpu.memory_space<vmem>>
    %dma_wait3A_177 = arith.constant 0 : i32
    %dma_wait3A_178 = tpu.memref_slice %arg2[%add3A_62, %dma_wait3A_177] : memref<16384x128xf32, #tpu.memory_space<hbm>> -> memref<128x128xf32, #tpu.memory_space<hbm>>
    %dma_wait3A_179 = arith.constant 0 : i32
    %dma_wait3A_180 = arith.constant 0 : i32
    %dma_wait3A_181 = tpu.memref_slice %arg8[%dma_wait3A_172, %dma_wait3A_179, %dma_wait3A_180] : memref<2x128x128xf32, #tpu.memory_space<vmem>> -> memref<1x128x128xf32, #tpu.memory_space<vmem>>
    %dma_wait3A_182 = tpu.memref_squeeze %dma_wait3A_181 : memref<1x128x128xf32, #tpu.memory_space<vmem>> -> memref<128x128xf32, #tpu.memory_space<vmem>>
    %dma_wait3A_183 = arith.constant 0 : i32
    %dma_wait3A_184 = tpu.memref_slice %arg2[%add3A_62, %dma_wait3A_183] : memref<16384x128xf32, #tpu.memory_space<hbm>> -> memref<128x128xf32, #tpu.memory_space<hbm>>
    tpu.wait_dma2 semaphore(%arg14 : memref<!tpu.dma_semaphore, #tpu.memory_space<semaphore_mem>>) src(%dma_wait3A_184 : memref<128x128xf32, #tpu.memory_space<hbm>>) dst(%dma_wait3A_182 : memref<128x128xf32, #tpu.memory_space<vmem>>)
    %dma_wait3A_185 = arith.constant 0 : i32
    %dma_wait3A_186 = arith.constant 0 : i32
    %dma_wait3A_187 = arith.constant 0 : i32
    %dma_wait3A_188 = arith.constant 0 : i32
    %dma_wait3A_189 = tpu.memref_slice %arg7[%dma_wait3A_186, %dma_wait3A_187, %dma_wait3A_188] : memref<2x128x128xf32, #tpu.memory_space<vmem>> -> memref<1x128x128xf32, #tpu.memory_space<vmem>>
    %dma_wait3A_190 = tpu.memref_squeeze %dma_wait3A_189 : memref<1x128x128xf32, #tpu.memory_space<vmem>> -> memref<128x128xf32, #tpu.memory_space<vmem>>
    %dma_wait3A_191 = arith.constant 0 : i32
    %dma_wait3A_192 = tpu.memref_slice %arg6[%dma_wait3A_185, %dma_wait3A_191] : memref<2x128xi32, #tpu.memory_space<vmem>> -> memref<1x128xi32, #tpu.memory_space<vmem>>
    %dma_wait3A_193 = tpu.memref_squeeze %dma_wait3A_192 : memref<1x128xi32, #tpu.memory_space<vmem>> -> memref<128xi32, #tpu.memory_space<vmem>>
    %dma_wait3A_194 = arith.constant 0 : i32
    %dma_wait3A_195 = arith.constant 0 : i32
    %dma_wait3A_196 = tpu.memref_slice %arg11[%dma_wait3A_194, %dma_wait3A_195] : memref<1000x128xf32, #tpu.memory_space<vmem_shared>> -> memref<1000x128xf32, #tpu.memory_space<vmem_shared>>
    tpu.wait_indirect_dma semaphore(%arg16 : memref<!tpu.dma_semaphore, #tpu.memory_space<semaphore_mem>>) src(%dma_wait3A_196 : memref<1000x128xf32, #tpu.memory_space<vmem_shared>>) dst(%dma_wait3A_190 : memref<128x128xf32, #tpu.memory_space<vmem>>)
    %scan3A = arith.constant 0 : i32
    %scan3A_197 = arith.constant 0 : i32
    %scan3A_198 = arith.constant 8 : i32
    %scan3A_199 = arith.addi %scan3A_197, %scan3A_198 : i32
    %scan3A_200 = arith.constant 1 : i32
    scf.for %scan3A_233 = %scan3A_197 to %scan3A_199 step %scan3A_200  : i32 {
      %scan3A_234 = arith.constant 0 : i32
      %scan3A_235 = arith.constant 0 : i32
      %scan3A_236 = arith.constant 16 : i32
      %scan3A_237 = arith.addi %scan3A_235, %scan3A_236 : i32
      %scan3A_238 = arith.constant 2 : i32
      scf.for %scan3A_291 = %scan3A_235 to %scan3A_237 step %scan3A_238  : i32 {
        %mul3A_292 = arith.constant 16 : i32
        %mul3A_293 = arith.muli %scan3A_233, %mul3A_292 : i32
        %add3A_294 = arith.addi %mul3A_293, %scan3A_291 : i32
        %get3A_295 = arith.constant 0 : i32
        %get3A_296 = arith.index_cast %get3A_295 : i32 to index
        %get3A_297 = arith.index_cast %add3A_294 : i32 to index
        %get3A_298 = arith.constant 0 : index
        %get3A_299 = tpu.vector_load %arg8[%get3A_296, %get3A_297, %get3A_298] {strides = array<i32>} : memref<2x128x128xf32, #tpu.memory_space<vmem>>, vector<16xf32>,
        %get3A_300 = arith.constant 0 : i32
        %get3A_301 = arith.index_cast %get3A_300 : i32 to index
        %get3A_302 = arith.index_cast %add3A_294 : i32 to index
        %get3A_303 = arith.constant 0 : index
        %get3A_304 = tpu.vector_load %arg7[%get3A_301, %get3A_302, %get3A_303] {strides = array<i32>} : memref<2x128x128xf32, #tpu.memory_space<vmem>>, vector<16xf32>,
        %mul3A_305 = arith.mulf %get3A_299, %get3A_304 : vector<16xf32>
        %get3A_306 = arith.constant 0 : i32
        %get3A_307 = arith.index_cast %get3A_306 : i32 to index
        %get3A_308 = arith.index_cast %add3A_294 : i32 to index
        %get3A_309 = arith.constant 16 : index
        %get3A_310 = tpu.vector_load %arg8[%get3A_307, %get3A_308, %get3A_309] {strides = array<i32>} : memref<2x128x128xf32, #tpu.memory_space<vmem>>, vector<16xf32>,
        %get3A_311 = arith.constant 0 : i32
        %get3A_312 = arith.index_cast %get3A_311 : i32 to index
        %get3A_313 = arith.index_cast %add3A_294 : i32 to index
        %get3A_314 = arith.constant 16 : index
        %get3A_315 = tpu.vector_load %arg7[%get3A_312, %get3A_313, %get3A_314] {strides = array<i32>} : memref<2x128x128xf32, #tpu.memory_space<vmem>>, vector<16xf32>,
        %mul3A_316 = arith.mulf %get3A_310, %get3A_315 : vector<16xf32>
        %add3A_317 = arith.addf %mul3A_305, %mul3A_316 : vector<16xf32>
        %get3A_318 = arith.constant 0 : i32
        %get3A_319 = arith.index_cast %get3A_318 : i32 to index
        %get3A_320 = arith.index_cast %add3A_294 : i32 to index
        %get3A_321 = arith.constant 32 : index
        %get3A_322 = tpu.vector_load %arg8[%get3A_319, %get3A_320, %get3A_321] {strides = array<i32>} : memref<2x128x128xf32, #tpu.memory_space<vmem>>, vector<16xf32>,
        %get3A_323 = arith.constant 0 : i32
        %get3A_324 = arith.index_cast %get3A_323 : i32 to index
        %get3A_325 = arith.index_cast %add3A_294 : i32 to index
        %get3A_326 = arith.constant 32 : index
        %get3A_327 = tpu.vector_load %arg7[%get3A_324, %get3A_325, %get3A_326] {strides = array<i32>} : memref<2x128x128xf32, #tpu.memory_space<vmem>>, vector<16xf32>,
        %mul3A_328 = arith.mulf %get3A_322, %get3A_327 : vector<16xf32>
        %add3A_329 = arith.addf %add3A_317, %mul3A_328 : vector<16xf32>
        %get3A_330 = arith.constant 0 : i32
        %get3A_331 = arith.index_cast %get3A_330 : i32 to index
        %get3A_332 = arith.index_cast %add3A_294 : i32 to index
        %get3A_333 = arith.constant 48 : index
        %get3A_334 = tpu.vector_load %arg8[%get3A_331, %get3A_332, %get3A_333] {strides = array<i32>} : memref<2x128x128xf32, #tpu.memory_space<vmem>>, vector<16xf32>,
        %get3A_335 = arith.constant 0 : i32
        %get3A_336 = arith.index_cast %get3A_335 : i32 to index
        %get3A_337 = arith.index_cast %add3A_294 : i32 to index
        %get3A_338 = arith.constant 48 : index
        %get3A_339 = tpu.vector_load %arg7[%get3A_336, %get3A_337, %get3A_338] {strides = array<i32>} : memref<2x128x128xf32, #tpu.memory_space<vmem>>, vector<16xf32>,
        %mul3A_340 = arith.mulf %get3A_334, %get3A_339 : vector<16xf32>
        %add3A_341 = arith.addf %add3A_329, %mul3A_340 : vector<16xf32>
        %get3A_342 = arith.constant 0 : i32
        %get3A_343 = arith.index_cast %get3A_342 : i32 to index
        %get3A_344 = arith.index_cast %add3A_294 : i32 to index
        %get3A_345 = arith.constant 64 : index
        %get3A_346 = tpu.vector_load %arg8[%get3A_343, %get3A_344, %get3A_345] {strides = array<i32>} : memref<2x128x128xf32, #tpu.memory_space<vmem>>, vector<16xf32>,
        %get3A_347 = arith.constant 0 : i32
        %get3A_348 = arith.index_cast %get3A_347 : i32 to index
        %get3A_349 = arith.index_cast %add3A_294 : i32 to index
        %get3A_350 = arith.constant 64 : index
        %get3A_351 = tpu.vector_load %arg7[%get3A_348, %get3A_349, %get3A_350] {strides = array<i32>} : memref<2x128x128xf32, #tpu.memory_space<vmem>>, vector<16xf32>,
        %mul3A_352 = arith.mulf %get3A_346, %get3A_351 : vector<16xf32>
        %add3A_353 = arith.addf %add3A_341, %mul3A_352 : vector<16xf32>
        %get3A_354 = arith.constant 0 : i32
        %get3A_355 = arith.index_cast %get3A_354 : i32 to index
        %get3A_356 = arith.index_cast %add3A_294 : i32 to index
        %get3A_357 = arith.constant 80 : index
        %get3A_358 = tpu.vector_load %arg8[%get3A_355, %get3A_356, %get3A_357] {strides = array<i32>} : memref<2x128x128xf32, #tpu.memory_space<vmem>>, vector<16xf32>,
        %get3A_359 = arith.constant 0 : i32
        %get3A_360 = arith.index_cast %get3A_359 : i32 to index
        %get3A_361 = arith.index_cast %add3A_294 : i32 to index
        %get3A_362 = arith.constant 80 : index
        %get3A_363 = tpu.vector_load %arg7[%get3A_360, %get3A_361, %get3A_362] {strides = array<i32>} : memref<2x128x128xf32, #tpu.memory_space<vmem>>, vector<16xf32>,
        %mul3A_364 = arith.mulf %get3A_358, %get3A_363 : vector<16xf32>
        %add3A_365 = arith.addf %add3A_353, %mul3A_364 : vector<16xf32>
        %get3A_366 = arith.constant 0 : i32
        %get3A_367 = arith.index_cast %get3A_366 : i32 to index
        %get3A_368 = arith.index_cast %add3A_294 : i32 to index
        %get3A_369 = arith.constant 96 : index
        %get3A_370 = tpu.vector_load %arg8[%get3A_367, %get3A_368, %get3A_369] {strides = array<i32>} : memref<2x128x128xf32, #tpu.memory_space<vmem>>, vector<16xf32>,
        %get3A_371 = arith.constant 0 : i32
        %get3A_372 = arith.index_cast %get3A_371 : i32 to index
        %get3A_373 = arith.index_cast %add3A_294 : i32 to index
        %get3A_374 = arith.constant 96 : index
        %get3A_375 = tpu.vector_load %arg7[%get3A_372, %get3A_373, %get3A_374] {strides = array<i32>} : memref<2x128x128xf32, #tpu.memory_space<vmem>>, vector<16xf32>,
        %mul3A_376 = arith.mulf %get3A_370, %get3A_375 : vector<16xf32>
        %add3A_377 = arith.addf %add3A_365, %mul3A_376 : vector<16xf32>
        %get3A_378 = arith.constant 0 : i32
        %get3A_379 = arith.index_cast %get3A_378 : i32 to index
        %get3A_380 = arith.index_cast %add3A_294 : i32 to index
        %get3A_381 = arith.constant 112 : index
        %get3A_382 = tpu.vector_load %arg8[%get3A_379, %get3A_380, %get3A_381] {strides = array<i32>} : memref<2x128x128xf32, #tpu.memory_space<vmem>>, vector<16xf32>,
        %get3A_383 = arith.constant 0 : i32
        %get3A_384 = arith.index_cast %get3A_383 : i32 to index
        %get3A_385 = arith.index_cast %add3A_294 : i32 to index
        %get3A_386 = arith.constant 112 : index
        %get3A_387 = tpu.vector_load %arg7[%get3A_384, %get3A_385, %get3A_386] {strides = array<i32>} : memref<2x128x128xf32, #tpu.memory_space<vmem>>, vector<16xf32>,
        %mul3A_388 = arith.mulf %get3A_382, %get3A_387 : vector<16xf32>
        %add3A_389 = arith.addf %add3A_377, %mul3A_388 : vector<16xf32>
        %iota3A = tpu.iota {dimensions = array<i32: 0>} : vector<16xi32>
        %mul3A_390 = arith.constant 16 : i32
        %mul3A_391 = vector.broadcast %mul3A_390 : i32 to vector<16xi32>
        %mul3A_392 = arith.muli %iota3A, %mul3A_391 : vector<16xi32>
        %add3A_393 = vector.broadcast %scan3A_291 : i32 to vector<16xi32>
        %add3A_394 = arith.addi %mul3A_392, %add3A_393 : vector<16xi32>
        tpu.vector_store_idx %arg10[%add3A_394], %add3A_389 : memref<256xf32, #tpu.memory_space<vmem>>[vector<16xi32>], vector<16xf32>,
        %scan3A_395 = arith.constant 1 : i32
        %scan3A_396 = arith.addi %scan3A_291, %scan3A_395 : i32
        %mul3A_397 = arith.constant 16 : i32
        %mul3A_398 = arith.muli %scan3A_233, %mul3A_397 : i32
        %add3A_399 = arith.addi %mul3A_398, %scan3A_396 : i32
        %get3A_400 = arith.constant 0 : i32
        %get3A_401 = arith.index_cast %get3A_400 : i32 to index
        %get3A_402 = arith.index_cast %add3A_399 : i32 to index
        %get3A_403 = arith.constant 0 : index
        %get3A_404 = tpu.vector_load %arg8[%get3A_401, %get3A_402, %get3A_403] {strides = array<i32>} : memref<2x128x128xf32, #tpu.memory_space<vmem>>, vector<16xf32>,
        %get3A_405 = arith.constant 0 : i32
        %get3A_406 = arith.index_cast %get3A_405 : i32 to index
        %get3A_407 = arith.index_cast %add3A_399 : i32 to index
        %get3A_408 = arith.constant 0 : index
        %get3A_409 = tpu.vector_load %arg7[%get3A_406, %get3A_407, %get3A_408] {strides = array<i32>} : memref<2x128x128xf32, #tpu.memory_space<vmem>>, vector<16xf32>,
        %mul3A_410 = arith.mulf %get3A_404, %get3A_409 : vector<16xf32>
        %get3A_411 = arith.constant 0 : i32
        %get3A_412 = arith.index_cast %get3A_411 : i32 to index
        %get3A_413 = arith.index_cast %add3A_399 : i32 to index
        %get3A_414 = arith.constant 16 : index
        %get3A_415 = tpu.vector_load %arg8[%get3A_412, %get3A_413, %get3A_414] {strides = array<i32>} : memref<2x128x128xf32, #tpu.memory_space<vmem>>, vector<16xf32>,
        %get3A_416 = arith.constant 0 : i32
        %get3A_417 = arith.index_cast %get3A_416 : i32 to index
        %get3A_418 = arith.index_cast %add3A_399 : i32 to index
        %get3A_419 = arith.constant 16 : index
        %get3A_420 = tpu.vector_load %arg7[%get3A_417, %get3A_418, %get3A_419] {strides = array<i32>} : memref<2x128x128xf32, #tpu.memory_space<vmem>>, vector<16xf32>,
        %mul3A_421 = arith.mulf %get3A_415, %get3A_420 : vector<16xf32>
        %add3A_422 = arith.addf %mul3A_410, %mul3A_421 : vector<16xf32>
        %get3A_423 = arith.constant 0 : i32
        %get3A_424 = arith.index_cast %get3A_423 : i32 to index
        %get3A_425 = arith.index_cast %add3A_399 : i32 to index
        %get3A_426 = arith.constant 32 : index
        %get3A_427 = tpu.vector_load %arg8[%get3A_424, %get3A_425, %get3A_426] {strides = array<i32>} : memref<2x128x128xf32, #tpu.memory_space<vmem>>, vector<16xf32>,
        %get3A_428 = arith.constant 0 : i32
        %get3A_429 = arith.index_cast %get3A_428 : i32 to index
        %get3A_430 = arith.index_cast %add3A_399 : i32 to index
        %get3A_431 = arith.constant 32 : index
        %get3A_432 = tpu.vector_load %arg7[%get3A_429, %get3A_430, %get3A_431] {strides = array<i32>} : memref<2x128x128xf32, #tpu.memory_space<vmem>>, vector<16xf32>,
        %mul3A_433 = arith.mulf %get3A_427, %get3A_432 : vector<16xf32>
        %add3A_434 = arith.addf %add3A_422, %mul3A_433 : vector<16xf32>
        %get3A_435 = arith.constant 0 : i32
        %get3A_436 = arith.index_cast %get3A_435 : i32 to index
        %get3A_437 = arith.index_cast %add3A_399 : i32 to index
        %get3A_438 = arith.constant 48 : index
        %get3A_439 = tpu.vector_load %arg8[%get3A_436, %get3A_437, %get3A_438] {strides = array<i32>} : memref<2x128x128xf32, #tpu.memory_space<vmem>>, vector<16xf32>,
        %get3A_440 = arith.constant 0 : i32
        %get3A_441 = arith.index_cast %get3A_440 : i32 to index
        %get3A_442 = arith.index_cast %add3A_399 : i32 to index
        %get3A_443 = arith.constant 48 : index
        %get3A_444 = tpu.vector_load %arg7[%get3A_441, %get3A_442, %get3A_443] {strides = array<i32>} : memref<2x128x128xf32, #tpu.memory_space<vmem>>, vector<16xf32>,
        %mul3A_445 = arith.mulf %get3A_439, %get3A_444 : vector<16xf32>
        %add3A_446 = arith.addf %add3A_434, %mul3A_445 : vector<16xf32>
        %get3A_447 = arith.constant 0 : i32
        %get3A_448 = arith.index_cast %get3A_447 : i32 to index
        %get3A_449 = arith.index_cast %add3A_399 : i32 to index
        %get3A_450 = arith.constant 64 : index
        %get3A_451 = tpu.vector_load %arg8[%get3A_448, %get3A_449, %get3A_450] {strides = array<i32>} : memref<2x128x128xf32, #tpu.memory_space<vmem>>, vector<16xf32>,
        %get3A_452 = arith.constant 0 : i32
        %get3A_453 = arith.index_cast %get3A_452 : i32 to index
        %get3A_454 = arith.index_cast %add3A_399 : i32 to index
        %get3A_455 = arith.constant 64 : index
        %get3A_456 = tpu.vector_load %arg7[%get3A_453, %get3A_454, %get3A_455] {strides = array<i32>} : memref<2x128x128xf32, #tpu.memory_space<vmem>>, vector<16xf32>,
        %mul3A_457 = arith.mulf %get3A_451, %get3A_456 : vector<16xf32>
        %add3A_458 = arith.addf %add3A_446, %mul3A_457 : vector<16xf32>
        %get3A_459 = arith.constant 0 : i32
        %get3A_460 = arith.index_cast %get3A_459 : i32 to index
        %get3A_461 = arith.index_cast %add3A_399 : i32 to index
        %get3A_462 = arith.constant 80 : index
        %get3A_463 = tpu.vector_load %arg8[%get3A_460, %get3A_461, %get3A_462] {strides = array<i32>} : memref<2x128x128xf32, #tpu.memory_space<vmem>>, vector<16xf32>,
        %get3A_464 = arith.constant 0 : i32
        %get3A_465 = arith.index_cast %get3A_464 : i32 to index
        %get3A_466 = arith.index_cast %add3A_399 : i32 to index
        %get3A_467 = arith.constant 80 : index
        %get3A_468 = tpu.vector_load %arg7[%get3A_465, %get3A_466, %get3A_467] {strides = array<i32>} : memref<2x128x128xf32, #tpu.memory_space<vmem>>, vector<16xf32>,
        %mul3A_469 = arith.mulf %get3A_463, %get3A_468 : vector<16xf32>
        %add3A_470 = arith.addf %add3A_458, %mul3A_469 : vector<16xf32>
        %get3A_471 = arith.constant 0 : i32
        %get3A_472 = arith.index_cast %get3A_471 : i32 to index
        %get3A_473 = arith.index_cast %add3A_399 : i32 to index
        %get3A_474 = arith.constant 96 : index
        %get3A_475 = tpu.vector_load %arg8[%get3A_472, %get3A_473, %get3A_474] {strides = array<i32>} : memref<2x128x128xf32, #tpu.memory_space<vmem>>, vector<16xf32>,
        %get3A_476 = arith.constant 0 : i32
        %get3A_477 = arith.index_cast %get3A_476 : i32 to index
        %get3A_478 = arith.index_cast %add3A_399 : i32 to index
        %get3A_479 = arith.constant 96 : index
        %get3A_480 = tpu.vector_load %arg7[%get3A_477, %get3A_478, %get3A_479] {strides = array<i32>} : memref<2x128x128xf32, #tpu.memory_space<vmem>>, vector<16xf32>,
        %mul3A_481 = arith.mulf %get3A_475, %get3A_480 : vector<16xf32>
        %add3A_482 = arith.addf %add3A_470, %mul3A_481 : vector<16xf32>
        %get3A_483 = arith.constant 0 : i32
        %get3A_484 = arith.index_cast %get3A_483 : i32 to index
        %get3A_485 = arith.index_cast %add3A_399 : i32 to index
        %get3A_486 = arith.constant 112 : index
        %get3A_487 = tpu.vector_load %arg8[%get3A_484, %get3A_485, %get3A_486] {strides = array<i32>} : memref<2x128x128xf32, #tpu.memory_space<vmem>>, vector<16xf32>,
        %get3A_488 = arith.constant 0 : i32
        %get3A_489 = arith.index_cast %get3A_488 : i32 to index
        %get3A_490 = arith.index_cast %add3A_399 : i32 to index
        %get3A_491 = arith.constant 112 : index
        %get3A_492 = tpu.vector_load %arg7[%get3A_489, %get3A_490, %get3A_491] {strides = array<i32>} : memref<2x128x128xf32, #tpu.memory_space<vmem>>, vector<16xf32>,
        %mul3A_493 = arith.mulf %get3A_487, %get3A_492 : vector<16xf32>
        %add3A_494 = arith.addf %add3A_482, %mul3A_493 : vector<16xf32>
        %iota3A_495 = tpu.iota {dimensions = array<i32: 0>} : vector<16xi32>
        %mul3A_496 = arith.constant 16 : i32
        %mul3A_497 = vector.broadcast %mul3A_496 : i32 to vector<16xi32>
        %mul3A_498 = arith.muli %iota3A_495, %mul3A_497 : vector<16xi32>
        %add3A_499 = vector.broadcast %scan3A_396 : i32 to vector<16xi32>
        %add3A_500 = arith.addi %mul3A_498, %add3A_499 : vector<16xi32>
        tpu.vector_store_idx %arg10[%add3A_500], %add3A_494 : memref<256xf32, #tpu.memory_space<vmem>>[vector<16xi32>], vector<16xf32>,
      }
      %scan3A_239 = arith.constant 16 : i32
      %get3A = arith.constant 0 : index
      %get3A_240 = tpu.vector_load %arg10[%get3A] {strides = array<i32>} : memref<256xf32, #tpu.memory_space<vmem>>, vector<16xf32>,
      %get3A_241 = arith.constant 16 : index
      %get3A_242 = tpu.vector_load %arg10[%get3A_241] {strides = array<i32>} : memref<256xf32, #tpu.memory_space<vmem>>, vector<16xf32>,
      %add3A_243 = arith.addf %get3A_240, %get3A_242 : vector<16xf32>
      %get3A_244 = arith.constant 32 : index
      %get3A_245 = tpu.vector_load %arg10[%get3A_244] {strides = array<i32>} : memref<256xf32, #tpu.memory_space<vmem>>, vector<16xf32>,
      %add3A_246 = arith.addf %add3A_243, %get3A_245 : vector<16xf32>
      %get3A_247 = arith.constant 48 : index
      %get3A_248 = tpu.vector_load %arg10[%get3A_247] {strides = array<i32>} : memref<256xf32, #tpu.memory_space<vmem>>, vector<16xf32>,
      %add3A_249 = arith.addf %add3A_246, %get3A_248 : vector<16xf32>
      %get3A_250 = arith.constant 64 : index
      %get3A_251 = tpu.vector_load %arg10[%get3A_250] {strides = array<i32>} : memref<256xf32, #tpu.memory_space<vmem>>, vector<16xf32>,
      %add3A_252 = arith.addf %add3A_249, %get3A_251 : vector<16xf32>
      %get3A_253 = arith.constant 80 : index
      %get3A_254 = tpu.vector_load %arg10[%get3A_253] {strides = array<i32>} : memref<256xf32, #tpu.memory_space<vmem>>, vector<16xf32>,
      %add3A_255 = arith.addf %add3A_252, %get3A_254 : vector<16xf32>
      %get3A_256 = arith.constant 96 : index
      %get3A_257 = tpu.vector_load %arg10[%get3A_256] {strides = array<i32>} : memref<256xf32, #tpu.memory_space<vmem>>, vector<16xf32>,
      %add3A_258 = arith.addf %add3A_255, %get3A_257 : vector<16xf32>
      %get3A_259 = arith.constant 112 : index
      %get3A_260 = tpu.vector_load %arg10[%get3A_259] {strides = array<i32>} : memref<256xf32, #tpu.memory_space<vmem>>, vector<16xf32>,
      %add3A_261 = arith.addf %add3A_258, %get3A_260 : vector<16xf32>
      %get3A_262 = arith.constant 128 : index
      %get3A_263 = tpu.vector_load %arg10[%get3A_262] {strides = array<i32>} : memref<256xf32, #tpu.memory_space<vmem>>, vector<16xf32>,
      %add3A_264 = arith.addf %add3A_261, %get3A_263 : vector<16xf32>
      %get3A_265 = arith.constant 144 : index
      %get3A_266 = tpu.vector_load %arg10[%get3A_265] {strides = array<i32>} : memref<256xf32, #tpu.memory_space<vmem>>, vector<16xf32>,
      %add3A_267 = arith.addf %add3A_264, %get3A_266 : vector<16xf32>
      %get3A_268 = arith.constant 160 : index
      %get3A_269 = tpu.vector_load %arg10[%get3A_268] {strides = array<i32>} : memref<256xf32, #tpu.memory_space<vmem>>, vector<16xf32>,
      %add3A_270 = arith.addf %add3A_267, %get3A_269 : vector<16xf32>
      %get3A_271 = arith.constant 176 : index
      %get3A_272 = tpu.vector_load %arg10[%get3A_271] {strides = array<i32>} : memref<256xf32, #tpu.memory_space<vmem>>, vector<16xf32>,
      %add3A_273 = arith.addf %add3A_270, %get3A_272 : vector<16xf32>
      %get3A_274 = arith.constant 192 : index
      %get3A_275 = tpu.vector_load %arg10[%get3A_274] {strides = array<i32>} : memref<256xf32, #tpu.memory_space<vmem>>, vector<16xf32>,
      %add3A_276 = arith.addf %add3A_273, %get3A_275 : vector<16xf32>
      %get3A_277 = arith.constant 208 : index
      %get3A_278 = tpu.vector_load %arg10[%get3A_277] {strides = array<i32>} : memref<256xf32, #tpu.memory_space<vmem>>, vector<16xf32>,
      %add3A_279 = arith.addf %add3A_276, %get3A_278 : vector<16xf32>
      %get3A_280 = arith.constant 224 : index
      %get3A_281 = tpu.vector_load %arg10[%get3A_280] {strides = array<i32>} : memref<256xf32, #tpu.memory_space<vmem>>, vector<16xf32>,
      %add3A_282 = arith.addf %add3A_279, %get3A_281 : vector<16xf32>
      %get3A_283 = arith.constant 240 : index
      %get3A_284 = tpu.vector_load %arg10[%get3A_283] {strides = array<i32>} : memref<256xf32, #tpu.memory_space<vmem>>, vector<16xf32>,
      %add3A_285 = arith.addf %add3A_282, %get3A_284 : vector<16xf32>
      %mul3A_286 = arith.constant 16 : i32
      %mul3A_287 = arith.muli %scan3A_233, %mul3A_286 : i32
      %add3A_288 = arith.constant 0 : i32
      %add3A_289 = arith.addi %add3A_288, %mul3A_287 : i32
      %swap3A = arith.index_cast %add3A_289 : i32 to index
      %swap3A_290 = tpu.vector_load %arg9[%swap3A] {strides = array<i32>} : memref<256xf32, #tpu.memory_space<vmem>>, vector<16xf32>,
      tpu.vector_store %arg9[%swap3A], %add3A_285 {strides = array<i32>} : memref<256xf32, #tpu.memory_space<vmem>>, vector<16xf32>,
    }
    %scan3A_201 = arith.constant 8 : i32
    %dma_wait3A_202 = arith.constant 1 : i32
    %dma_wait3A_203 = arith.constant 0 : i32
    %dma_wait3A_204 = arith.constant 0 : i32
    %dma_wait3A_205 = tpu.memref_slice %arg8[%dma_wait3A_202, %dma_wait3A_203, %dma_wait3A_204] : memref<2x128x128xf32, #tpu.memory_space<vmem>> -> memref<1x128x128xf32, #tpu.memory_space<vmem>>
    %dma_wait3A_206 = tpu.memref_squeeze %dma_wait3A_205 : memref<1x128x128xf32, #tpu.memory_space<vmem>> -> memref<128x128xf32, #tpu.memory_space<vmem>>
    %dma_wait3A_207 = arith.constant 0 : i32
    %dma_wait3A_208 = tpu.memref_slice %arg2[%add3A_77, %dma_wait3A_207] : memref<16384x128xf32, #tpu.memory_space<hbm>> -> memref<128x128xf32, #tpu.memory_space<hbm>>
    %dma_wait3A_209 = arith.constant 0 : i32
    %dma_wait3A_210 = arith.constant 0 : i32
    %dma_wait3A_211 = tpu.memref_slice %arg8[%dma_wait3A_202, %dma_wait3A_209, %dma_wait3A_210] : memref<2x128x128xf32, #tpu.memory_space<vmem>> -> memref<1x128x128xf32, #tpu.memory_space<vmem>>
    %dma_wait3A_212 = tpu.memref_squeeze %dma_wait3A_211 : memref<1x128x128xf32, #tpu.memory_space<vmem>> -> memref<128x128xf32, #tpu.memory_space<vmem>>
    %dma_wait3A_213 = arith.constant 0 : i32
    %dma_wait3A_214 = tpu.memref_slice %arg2[%add3A_77, %dma_wait3A_213] : memref<16384x128xf32, #tpu.memory_space<hbm>> -> memref<128x128xf32, #tpu.memory_space<hbm>>
    tpu.wait_dma2 semaphore(%arg15 : memref<!tpu.dma_semaphore, #tpu.memory_space<semaphore_mem>>) src(%dma_wait3A_214 : memref<128x128xf32, #tpu.memory_space<hbm>>) dst(%dma_wait3A_212 : memref<128x128xf32, #tpu.memory_space<vmem>>)
    %dma_wait3A_215 = arith.constant 1 : i32
    %dma_wait3A_216 = arith.constant 1 : i32
    %dma_wait3A_217 = arith.constant 0 : i32
    %dma_wait3A_218 = arith.constant 0 : i32
    %dma_wait3A_219 = tpu.memref_slice %arg7[%dma_wait3A_216, %dma_wait3A_217, %dma_wait3A_218] : memref<2x128x128xf32, #tpu.memory_space<vmem>> -> memref<1x128x128xf32, #tpu.memory_space<vmem>>
    %dma_wait3A_220 = tpu.memref_squeeze %dma_wait3A_219 : memref<1x128x128xf32, #tpu.memory_space<vmem>> -> memref<128x128xf32, #tpu.memory_space<vmem>>
    %dma_wait3A_221 = arith.constant 0 : i32
    %dma_wait3A_222 = tpu.memref_slice %arg6[%dma_wait3A_215, %dma_wait3A_221] : memref<2x128xi32, #tpu.memory_space<vmem>> -> memref<1x128xi32, #tpu.memory_space<vmem>>
    %dma_wait3A_223 = tpu.memref_squeeze %dma_wait3A_222 : memref<1x128xi32, #tpu.memory_space<vmem>> -> memref<128xi32, #tpu.memory_space<vmem>>
    %dma_wait3A_224 = arith.constant 0 : i32
    %dma_wait3A_225 = arith.constant 0 : i32
    %dma_wait3A_226 = tpu.memref_slice %arg11[%dma_wait3A_224, %dma_wait3A_225] : memref<1000x128xf32, #tpu.memory_space<vmem_shared>> -> memref<1000x128xf32, #tpu.memory_space<vmem_shared>>
    tpu.wait_indirect_dma semaphore(%arg17 : memref<!tpu.dma_semaphore, #tpu.memory_space<semaphore_mem>>) src(%dma_wait3A_226 : memref<1000x128xf32, #tpu.memory_space<vmem_shared>>) dst(%dma_wait3A_220 : memref<128x128xf32, #tpu.memory_space<vmem>>)
    %scan3A_227 = arith.constant 0 : i32
    %scan3A_228 = arith.constant 0 : i32
    %scan3A_229 = arith.constant 8 : i32
    %scan3A_230 = arith.addi %scan3A_228, %scan3A_229 : i32
    %scan3A_231 = arith.constant 1 : i32
    scf.for %scan3A_233 = %scan3A_228 to %scan3A_230 step %scan3A_231  : i32 {
      %scan3A_234 = arith.constant 0 : i32
      %scan3A_235 = arith.constant 0 : i32
      %scan3A_236 = arith.constant 16 : i32
      %scan3A_237 = arith.addi %scan3A_235, %scan3A_236 : i32
      %scan3A_238 = arith.constant 2 : i32
      scf.for %scan3A_291 = %scan3A_235 to %scan3A_237 step %scan3A_238  : i32 {
        %mul3A_292 = arith.constant 16 : i32
        %mul3A_293 = arith.muli %scan3A_233, %mul3A_292 : i32
        %add3A_294 = arith.addi %mul3A_293, %scan3A_291 : i32
        %get3A_295 = arith.constant 1 : i32
        %get3A_296 = arith.index_cast %get3A_295 : i32 to index
        %get3A_297 = arith.index_cast %add3A_294 : i32 to index
        %get3A_298 = arith.constant 0 : index
        %get3A_299 = tpu.vector_load %arg8[%get3A_296, %get3A_297, %get3A_298] {strides = array<i32>} : memref<2x128x128xf32, #tpu.memory_space<vmem>>, vector<16xf32>,
        %get3A_300 = arith.constant 1 : i32
        %get3A_301 = arith.index_cast %get3A_300 : i32 to index
        %get3A_302 = arith.index_cast %add3A_294 : i32 to index
        %get3A_303 = arith.constant 0 : index
        %get3A_304 = tpu.vector_load %arg7[%get3A_301, %get3A_302, %get3A_303] {strides = array<i32>} : memref<2x128x128xf32, #tpu.memory_space<vmem>>, vector<16xf32>,
        %mul3A_305 = arith.mulf %get3A_299, %get3A_304 : vector<16xf32>
        %get3A_306 = arith.constant 1 : i32
        %get3A_307 = arith.index_cast %get3A_306 : i32 to index
        %get3A_308 = arith.index_cast %add3A_294 : i32 to index
        %get3A_309 = arith.constant 16 : index
        %get3A_310 = tpu.vector_load %arg8[%get3A_307, %get3A_308, %get3A_309] {strides = array<i32>} : memref<2x128x128xf32, #tpu.memory_space<vmem>>, vector<16xf32>,
        %get3A_311 = arith.constant 1 : i32
        %get3A_312 = arith.index_cast %get3A_311 : i32 to index
        %get3A_313 = arith.index_cast %add3A_294 : i32 to index
        %get3A_314 = arith.constant 16 : index
        %get3A_315 = tpu.vector_load %arg7[%get3A_312, %get3A_313, %get3A_314] {strides = array<i32>} : memref<2x128x128xf32, #tpu.memory_space<vmem>>, vector<16xf32>,
        %mul3A_316 = arith.mulf %get3A_310, %get3A_315 : vector<16xf32>
        %add3A_317 = arith.addf %mul3A_305, %mul3A_316 : vector<16xf32>
        %get3A_318 = arith.constant 1 : i32
        %get3A_319 = arith.index_cast %get3A_318 : i32 to index
        %get3A_320 = arith.index_cast %add3A_294 : i32 to index
        %get3A_321 = arith.constant 32 : index
        %get3A_322 = tpu.vector_load %arg8[%get3A_319, %get3A_320, %get3A_321] {strides = array<i32>} : memref<2x128x128xf32, #tpu.memory_space<vmem>>, vector<16xf32>,
        %get3A_323 = arith.constant 1 : i32
        %get3A_324 = arith.index_cast %get3A_323 : i32 to index
        %get3A_325 = arith.index_cast %add3A_294 : i32 to index
        %get3A_326 = arith.constant 32 : index
        %get3A_327 = tpu.vector_load %arg7[%get3A_324, %get3A_325, %get3A_326] {strides = array<i32>} : memref<2x128x128xf32, #tpu.memory_space<vmem>>, vector<16xf32>,
        %mul3A_328 = arith.mulf %get3A_322, %get3A_327 : vector<16xf32>
        %add3A_329 = arith.addf %add3A_317, %mul3A_328 : vector<16xf32>
        %get3A_330 = arith.constant 1 : i32
        %get3A_331 = arith.index_cast %get3A_330 : i32 to index
        %get3A_332 = arith.index_cast %add3A_294 : i32 to index
        %get3A_333 = arith.constant 48 : index
        %get3A_334 = tpu.vector_load %arg8[%get3A_331, %get3A_332, %get3A_333] {strides = array<i32>} : memref<2x128x128xf32, #tpu.memory_space<vmem>>, vector<16xf32>,
        %get3A_335 = arith.constant 1 : i32
        %get3A_336 = arith.index_cast %get3A_335 : i32 to index
        %get3A_337 = arith.index_cast %add3A_294 : i32 to index
        %get3A_338 = arith.constant 48 : index
        %get3A_339 = tpu.vector_load %arg7[%get3A_336, %get3A_337, %get3A_338] {strides = array<i32>} : memref<2x128x128xf32, #tpu.memory_space<vmem>>, vector<16xf32>,
        %mul3A_340 = arith.mulf %get3A_334, %get3A_339 : vector<16xf32>
        %add3A_341 = arith.addf %add3A_329, %mul3A_340 : vector<16xf32>
        %get3A_342 = arith.constant 1 : i32
        %get3A_343 = arith.index_cast %get3A_342 : i32 to index
        %get3A_344 = arith.index_cast %add3A_294 : i32 to index
        %get3A_345 = arith.constant 64 : index
        %get3A_346 = tpu.vector_load %arg8[%get3A_343, %get3A_344, %get3A_345] {strides = array<i32>} : memref<2x128x128xf32, #tpu.memory_space<vmem>>, vector<16xf32>,
        %get3A_347 = arith.constant 1 : i32
        %get3A_348 = arith.index_cast %get3A_347 : i32 to index
        %get3A_349 = arith.index_cast %add3A_294 : i32 to index
        %get3A_350 = arith.constant 64 : index
        %get3A_351 = tpu.vector_load %arg7[%get3A_348, %get3A_349, %get3A_350] {strides = array<i32>} : memref<2x128x128xf32, #tpu.memory_space<vmem>>, vector<16xf32>,
        %mul3A_352 = arith.mulf %get3A_346, %get3A_351 : vector<16xf32>
        %add3A_353 = arith.addf %add3A_341, %mul3A_352 : vector<16xf32>
        %get3A_354 = arith.constant 1 : i32
        %get3A_355 = arith.index_cast %get3A_354 : i32 to index
        %get3A_356 = arith.index_cast %add3A_294 : i32 to index
        %get3A_357 = arith.constant 80 : index
        %get3A_358 = tpu.vector_load %arg8[%get3A_355, %get3A_356, %get3A_357] {strides = array<i32>} : memref<2x128x128xf32, #tpu.memory_space<vmem>>, vector<16xf32>,
        %get3A_359 = arith.constant 1 : i32
        %get3A_360 = arith.index_cast %get3A_359 : i32 to index
        %get3A_361 = arith.index_cast %add3A_294 : i32 to index
        %get3A_362 = arith.constant 80 : index
        %get3A_363 = tpu.vector_load %arg7[%get3A_360, %get3A_361, %get3A_362] {strides = array<i32>} : memref<2x128x128xf32, #tpu.memory_space<vmem>>, vector<16xf32>,
        %mul3A_364 = arith.mulf %get3A_358, %get3A_363 : vector<16xf32>
        %add3A_365 = arith.addf %add3A_353, %mul3A_364 : vector<16xf32>
        %get3A_366 = arith.constant 1 : i32
        %get3A_367 = arith.index_cast %get3A_366 : i32 to index
        %get3A_368 = arith.index_cast %add3A_294 : i32 to index
        %get3A_369 = arith.constant 96 : index
        %get3A_370 = tpu.vector_load %arg8[%get3A_367, %get3A_368, %get3A_369] {strides = array<i32>} : memref<2x128x128xf32, #tpu.memory_space<vmem>>, vector<16xf32>,
        %get3A_371 = arith.constant 1 : i32
        %get3A_372 = arith.index_cast %get3A_371 : i32 to index
        %get3A_373 = arith.index_cast %add3A_294 : i32 to index
        %get3A_374 = arith.constant 96 : index
        %get3A_375 = tpu.vector_load %arg7[%get3A_372, %get3A_373, %get3A_374] {strides = array<i32>} : memref<2x128x128xf32, #tpu.memory_space<vmem>>, vector<16xf32>,
        %mul3A_376 = arith.mulf %get3A_370, %get3A_375 : vector<16xf32>
        %add3A_377 = arith.addf %add3A_365, %mul3A_376 : vector<16xf32>
        %get3A_378 = arith.constant 1 : i32
        %get3A_379 = arith.index_cast %get3A_378 : i32 to index
        %get3A_380 = arith.index_cast %add3A_294 : i32 to index
        %get3A_381 = arith.constant 112 : index
        %get3A_382 = tpu.vector_load %arg8[%get3A_379, %get3A_380, %get3A_381] {strides = array<i32>} : memref<2x128x128xf32, #tpu.memory_space<vmem>>, vector<16xf32>,
        %get3A_383 = arith.constant 1 : i32
        %get3A_384 = arith.index_cast %get3A_383 : i32 to index
        %get3A_385 = arith.index_cast %add3A_294 : i32 to index
        %get3A_386 = arith.constant 112 : index
        %get3A_387 = tpu.vector_load %arg7[%get3A_384, %get3A_385, %get3A_386] {strides = array<i32>} : memref<2x128x128xf32, #tpu.memory_space<vmem>>, vector<16xf32>,
        %mul3A_388 = arith.mulf %get3A_382, %get3A_387 : vector<16xf32>
        %add3A_389 = arith.addf %add3A_377, %mul3A_388 : vector<16xf32>
        %iota3A = tpu.iota {dimensions = array<i32: 0>} : vector<16xi32>
        %mul3A_390 = arith.constant 16 : i32
        %mul3A_391 = vector.broadcast %mul3A_390 : i32 to vector<16xi32>
        %mul3A_392 = arith.muli %iota3A, %mul3A_391 : vector<16xi32>
        %add3A_393 = vector.broadcast %scan3A_291 : i32 to vector<16xi32>
        %add3A_394 = arith.addi %mul3A_392, %add3A_393 : vector<16xi32>
        tpu.vector_store_idx %arg10[%add3A_394], %add3A_389 : memref<256xf32, #tpu.memory_space<vmem>>[vector<16xi32>], vector<16xf32>,
        %scan3A_395 = arith.constant 1 : i32
        %scan3A_396 = arith.addi %scan3A_291, %scan3A_395 : i32
        %mul3A_397 = arith.constant 16 : i32
        %mul3A_398 = arith.muli %scan3A_233, %mul3A_397 : i32
        %add3A_399 = arith.addi %mul3A_398, %scan3A_396 : i32
        %get3A_400 = arith.constant 1 : i32
        %get3A_401 = arith.index_cast %get3A_400 : i32 to index
        %get3A_402 = arith.index_cast %add3A_399 : i32 to index
        %get3A_403 = arith.constant 0 : index
        %get3A_404 = tpu.vector_load %arg8[%get3A_401, %get3A_402, %get3A_403] {strides = array<i32>} : memref<2x128x128xf32, #tpu.memory_space<vmem>>, vector<16xf32>,
        %get3A_405 = arith.constant 1 : i32
        %get3A_406 = arith.index_cast %get3A_405 : i32 to index
        %get3A_407 = arith.index_cast %add3A_399 : i32 to index
        %get3A_408 = arith.constant 0 : index
        %get3A_409 = tpu.vector_load %arg7[%get3A_406, %get3A_407, %get3A_408] {strides = array<i32>} : memref<2x128x128xf32, #tpu.memory_space<vmem>>, vector<16xf32>,
        %mul3A_410 = arith.mulf %get3A_404, %get3A_409 : vector<16xf32>
        %get3A_411 = arith.constant 1 : i32
        %get3A_412 = arith.index_cast %get3A_411 : i32 to index
        %get3A_413 = arith.index_cast %add3A_399 : i32 to index
        %get3A_414 = arith.constant 16 : index
        %get3A_415 = tpu.vector_load %arg8[%get3A_412, %get3A_413, %get3A_414] {strides = array<i32>} : memref<2x128x128xf32, #tpu.memory_space<vmem>>, vector<16xf32>,
        %get3A_416 = arith.constant 1 : i32
        %get3A_417 = arith.index_cast %get3A_416 : i32 to index
        %get3A_418 = arith.index_cast %add3A_399 : i32 to index
        %get3A_419 = arith.constant 16 : index
        %get3A_420 = tpu.vector_load %arg7[%get3A_417, %get3A_418, %get3A_419] {strides = array<i32>} : memref<2x128x128xf32, #tpu.memory_space<vmem>>, vector<16xf32>,
        %mul3A_421 = arith.mulf %get3A_415, %get3A_420 : vector<16xf32>
        %add3A_422 = arith.addf %mul3A_410, %mul3A_421 : vector<16xf32>
        %get3A_423 = arith.constant 1 : i32
        %get3A_424 = arith.index_cast %get3A_423 : i32 to index
        %get3A_425 = arith.index_cast %add3A_399 : i32 to index
        %get3A_426 = arith.constant 32 : index
        %get3A_427 = tpu.vector_load %arg8[%get3A_424, %get3A_425, %get3A_426] {strides = array<i32>} : memref<2x128x128xf32, #tpu.memory_space<vmem>>, vector<16xf32>,
        %get3A_428 = arith.constant 1 : i32
        %get3A_429 = arith.index_cast %get3A_428 : i32 to index
        %get3A_430 = arith.index_cast %add3A_399 : i32 to index
        %get3A_431 = arith.constant 32 : index
        %get3A_432 = tpu.vector_load %arg7[%get3A_429, %get3A_430, %get3A_431] {strides = array<i32>} : memref<2x128x128xf32, #tpu.memory_space<vmem>>, vector<16xf32>,
        %mul3A_433 = arith.mulf %get3A_427, %get3A_432 : vector<16xf32>
        %add3A_434 = arith.addf %add3A_422, %mul3A_433 : vector<16xf32>
        %get3A_435 = arith.constant 1 : i32
        %get3A_436 = arith.index_cast %get3A_435 : i32 to index
        %get3A_437 = arith.index_cast %add3A_399 : i32 to index
        %get3A_438 = arith.constant 48 : index
        %get3A_439 = tpu.vector_load %arg8[%get3A_436, %get3A_437, %get3A_438] {strides = array<i32>} : memref<2x128x128xf32, #tpu.memory_space<vmem>>, vector<16xf32>,
        %get3A_440 = arith.constant 1 : i32
        %get3A_441 = arith.index_cast %get3A_440 : i32 to index
        %get3A_442 = arith.index_cast %add3A_399 : i32 to index
        %get3A_443 = arith.constant 48 : index
        %get3A_444 = tpu.vector_load %arg7[%get3A_441, %get3A_442, %get3A_443] {strides = array<i32>} : memref<2x128x128xf32, #tpu.memory_space<vmem>>, vector<16xf32>,
        %mul3A_445 = arith.mulf %get3A_439, %get3A_444 : vector<16xf32>
        %add3A_446 = arith.addf %add3A_434, %mul3A_445 : vector<16xf32>
        %get3A_447 = arith.constant 1 : i32
        %get3A_448 = arith.index_cast %get3A_447 : i32 to index
        %get3A_449 = arith.index_cast %add3A_399 : i32 to index
        %get3A_450 = arith.constant 64 : index
        %get3A_451 = tpu.vector_load %arg8[%get3A_448, %get3A_449, %get3A_450] {strides = array<i32>} : memref<2x128x128xf32, #tpu.memory_space<vmem>>, vector<16xf32>,
        %get3A_452 = arith.constant 1 : i32
        %get3A_453 = arith.index_cast %get3A_452 : i32 to index
        %get3A_454 = arith.index_cast %add3A_399 : i32 to index
        %get3A_455 = arith.constant 64 : index
        %get3A_456 = tpu.vector_load %arg7[%get3A_453, %get3A_454, %get3A_455] {strides = array<i32>} : memref<2x128x128xf32, #tpu.memory_space<vmem>>, vector<16xf32>,
        %mul3A_457 = arith.mulf %get3A_451, %get3A_456 : vector<16xf32>
        %add3A_458 = arith.addf %add3A_446, %mul3A_457 : vector<16xf32>
        %get3A_459 = arith.constant 1 : i32
        %get3A_460 = arith.index_cast %get3A_459 : i32 to index
        %get3A_461 = arith.index_cast %add3A_399 : i32 to index
        %get3A_462 = arith.constant 80 : index
        %get3A_463 = tpu.vector_load %arg8[%get3A_460, %get3A_461, %get3A_462] {strides = array<i32>} : memref<2x128x128xf32, #tpu.memory_space<vmem>>, vector<16xf32>,
        %get3A_464 = arith.constant 1 : i32
        %get3A_465 = arith.index_cast %get3A_464 : i32 to index
        %get3A_466 = arith.index_cast %add3A_399 : i32 to index
        %get3A_467 = arith.constant 80 : index
        %get3A_468 = tpu.vector_load %arg7[%get3A_465, %get3A_466, %get3A_467] {strides = array<i32>} : memref<2x128x128xf32, #tpu.memory_space<vmem>>, vector<16xf32>,
        %mul3A_469 = arith.mulf %get3A_463, %get3A_468 : vector<16xf32>
        %add3A_470 = arith.addf %add3A_458, %mul3A_469 : vector<16xf32>
        %get3A_471 = arith.constant 1 : i32
        %get3A_472 = arith.index_cast %get3A_471 : i32 to index
        %get3A_473 = arith.index_cast %add3A_399 : i32 to index
        %get3A_474 = arith.constant 96 : index
        %get3A_475 = tpu.vector_load %arg8[%get3A_472, %get3A_473, %get3A_474] {strides = array<i32>} : memref<2x128x128xf32, #tpu.memory_space<vmem>>, vector<16xf32>,
        %get3A_476 = arith.constant 1 : i32
        %get3A_477 = arith.index_cast %get3A_476 : i32 to index
        %get3A_478 = arith.index_cast %add3A_399 : i32 to index
        %get3A_479 = arith.constant 96 : index
        %get3A_480 = tpu.vector_load %arg7[%get3A_477, %get3A_478, %get3A_479] {strides = array<i32>} : memref<2x128x128xf32, #tpu.memory_space<vmem>>, vector<16xf32>,
        %mul3A_481 = arith.mulf %get3A_475, %get3A_480 : vector<16xf32>
        %add3A_482 = arith.addf %add3A_470, %mul3A_481 : vector<16xf32>
        %get3A_483 = arith.constant 1 : i32
        %get3A_484 = arith.index_cast %get3A_483 : i32 to index
        %get3A_485 = arith.index_cast %add3A_399 : i32 to index
        %get3A_486 = arith.constant 112 : index
        %get3A_487 = tpu.vector_load %arg8[%get3A_484, %get3A_485, %get3A_486] {strides = array<i32>} : memref<2x128x128xf32, #tpu.memory_space<vmem>>, vector<16xf32>,
        %get3A_488 = arith.constant 1 : i32
        %get3A_489 = arith.index_cast %get3A_488 : i32 to index
        %get3A_490 = arith.index_cast %add3A_399 : i32 to index
        %get3A_491 = arith.constant 112 : index
        %get3A_492 = tpu.vector_load %arg7[%get3A_489, %get3A_490, %get3A_491] {strides = array<i32>} : memref<2x128x128xf32, #tpu.memory_space<vmem>>, vector<16xf32>,
        %mul3A_493 = arith.mulf %get3A_487, %get3A_492 : vector<16xf32>
        %add3A_494 = arith.addf %add3A_482, %mul3A_493 : vector<16xf32>
        %iota3A_495 = tpu.iota {dimensions = array<i32: 0>} : vector<16xi32>
        %mul3A_496 = arith.constant 16 : i32
        %mul3A_497 = vector.broadcast %mul3A_496 : i32 to vector<16xi32>
        %mul3A_498 = arith.muli %iota3A_495, %mul3A_497 : vector<16xi32>
        %add3A_499 = vector.broadcast %scan3A_396 : i32 to vector<16xi32>
        %add3A_500 = arith.addi %mul3A_498, %add3A_499 : vector<16xi32>
        tpu.vector_store_idx %arg10[%add3A_500], %add3A_494 : memref<256xf32, #tpu.memory_space<vmem>>[vector<16xi32>], vector<16xf32>,
      }
      %scan3A_239 = arith.constant 16 : i32
      %get3A = arith.constant 0 : index
      %get3A_240 = tpu.vector_load %arg10[%get3A] {strides = array<i32>} : memref<256xf32, #tpu.memory_space<vmem>>, vector<16xf32>,
      %get3A_241 = arith.constant 16 : index
      %get3A_242 = tpu.vector_load %arg10[%get3A_241] {strides = array<i32>} : memref<256xf32, #tpu.memory_space<vmem>>, vector<16xf32>,
      %add3A_243 = arith.addf %get3A_240, %get3A_242 : vector<16xf32>
      %get3A_244 = arith.constant 32 : index
      %get3A_245 = tpu.vector_load %arg10[%get3A_244] {strides = array<i32>} : memref<256xf32, #tpu.memory_space<vmem>>, vector<16xf32>,
      %add3A_246 = arith.addf %add3A_243, %get3A_245 : vector<16xf32>
      %get3A_247 = arith.constant 48 : index
      %get3A_248 = tpu.vector_load %arg10[%get3A_247] {strides = array<i32>} : memref<256xf32, #tpu.memory_space<vmem>>, vector<16xf32>,
      %add3A_249 = arith.addf %add3A_246, %get3A_248 : vector<16xf32>
      %get3A_250 = arith.constant 64 : index
      %get3A_251 = tpu.vector_load %arg10[%get3A_250] {strides = array<i32>} : memref<256xf32, #tpu.memory_space<vmem>>, vector<16xf32>,
      %add3A_252 = arith.addf %add3A_249, %get3A_251 : vector<16xf32>
      %get3A_253 = arith.constant 80 : index
      %get3A_254 = tpu.vector_load %arg10[%get3A_253] {strides = array<i32>} : memref<256xf32, #tpu.memory_space<vmem>>, vector<16xf32>,
      %add3A_255 = arith.addf %add3A_252, %get3A_254 : vector<16xf32>
      %get3A_256 = arith.constant 96 : index
      %get3A_257 = tpu.vector_load %arg10[%get3A_256] {strides = array<i32>} : memref<256xf32, #tpu.memory_space<vmem>>, vector<16xf32>,
      %add3A_258 = arith.addf %add3A_255, %get3A_257 : vector<16xf32>
      %get3A_259 = arith.constant 112 : index
      %get3A_260 = tpu.vector_load %arg10[%get3A_259] {strides = array<i32>} : memref<256xf32, #tpu.memory_space<vmem>>, vector<16xf32>,
      %add3A_261 = arith.addf %add3A_258, %get3A_260 : vector<16xf32>
      %get3A_262 = arith.constant 128 : index
      %get3A_263 = tpu.vector_load %arg10[%get3A_262] {strides = array<i32>} : memref<256xf32, #tpu.memory_space<vmem>>, vector<16xf32>,
      %add3A_264 = arith.addf %add3A_261, %get3A_263 : vector<16xf32>
      %get3A_265 = arith.constant 144 : index
      %get3A_266 = tpu.vector_load %arg10[%get3A_265] {strides = array<i32>} : memref<256xf32, #tpu.memory_space<vmem>>, vector<16xf32>,
      %add3A_267 = arith.addf %add3A_264, %get3A_266 : vector<16xf32>
      %get3A_268 = arith.constant 160 : index
      %get3A_269 = tpu.vector_load %arg10[%get3A_268] {strides = array<i32>} : memref<256xf32, #tpu.memory_space<vmem>>, vector<16xf32>,
      %add3A_270 = arith.addf %add3A_267, %get3A_269 : vector<16xf32>
      %get3A_271 = arith.constant 176 : index
      %get3A_272 = tpu.vector_load %arg10[%get3A_271] {strides = array<i32>} : memref<256xf32, #tpu.memory_space<vmem>>, vector<16xf32>,
      %add3A_273 = arith.addf %add3A_270, %get3A_272 : vector<16xf32>
      %get3A_274 = arith.constant 192 : index
      %get3A_275 = tpu.vector_load %arg10[%get3A_274] {strides = array<i32>} : memref<256xf32, #tpu.memory_space<vmem>>, vector<16xf32>,
      %add3A_276 = arith.addf %add3A_273, %get3A_275 : vector<16xf32>
      %get3A_277 = arith.constant 208 : index
      %get3A_278 = tpu.vector_load %arg10[%get3A_277] {strides = array<i32>} : memref<256xf32, #tpu.memory_space<vmem>>, vector<16xf32>,
      %add3A_279 = arith.addf %add3A_276, %get3A_278 : vector<16xf32>
      %get3A_280 = arith.constant 224 : index
      %get3A_281 = tpu.vector_load %arg10[%get3A_280] {strides = array<i32>} : memref<256xf32, #tpu.memory_space<vmem>>, vector<16xf32>,
      %add3A_282 = arith.addf %add3A_279, %get3A_281 : vector<16xf32>
      %get3A_283 = arith.constant 240 : index
      %get3A_284 = tpu.vector_load %arg10[%get3A_283] {strides = array<i32>} : memref<256xf32, #tpu.memory_space<vmem>>, vector<16xf32>,
      %add3A_285 = arith.addf %add3A_282, %get3A_284 : vector<16xf32>
      %mul3A_286 = arith.constant 16 : i32
      %mul3A_287 = arith.muli %scan3A_233, %mul3A_286 : i32
      %add3A_288 = arith.constant 128 : i32
      %add3A_289 = arith.addi %add3A_288, %mul3A_287 : i32
      %swap3A = arith.index_cast %add3A_289 : i32 to index
      %swap3A_290 = tpu.vector_load %arg9[%swap3A] {strides = array<i32>} : memref<256xf32, #tpu.memory_space<vmem>>, vector<16xf32>,
      tpu.vector_store %arg9[%swap3A], %add3A_285 {strides = array<i32>} : memref<256xf32, #tpu.memory_space<vmem>>, vector<16xf32>,
    }
    %scan3A_232 = arith.constant 8 : i32
    "tpu.region"() ({
      %run_scoped3A = tpu.sem_alloc : memref<!tpu.dma_semaphore, #tpu.memory_space<semaphore_mem>>
      %dma_start3A_233 = tpu.memref_slice %arg5[%mul3A_2] : memref<8192xf32, #tpu.memory_space<hbm>> -> memref<256xf32, #tpu.memory_space<hbm>>
      %dma_start3A_234 = tpu.memref_slice %arg5[%mul3A_2] : memref<8192xf32, #tpu.memory_space<hbm>> -> memref<256xf32, #tpu.memory_space<hbm>>
      tpu.enqueue_dma source(%arg9 : memref<256xf32, #tpu.memory_space<vmem>>) target(%dma_start3A_234 : memref<256xf32, #tpu.memory_space<hbm>>) target_semaphore(%run_scoped3A : memref<!tpu.dma_semaphore, #tpu.memory_space<semaphore_mem>>)
      %dma_wait3A_235 = tpu.memref_slice %arg5[%mul3A_2] : memref<8192xf32, #tpu.memory_space<hbm>> -> memref<256xf32, #tpu.memory_space<hbm>>
      %dma_wait3A_236 = tpu.memref_slice %arg5[%mul3A_2] : memref<8192xf32, #tpu.memory_space<hbm>> -> memref<256xf32, #tpu.memory_space<hbm>>
      tpu.wait_dma2 semaphore(%run_scoped3A : memref<!tpu.dma_semaphore, #tpu.memory_space<semaphore_mem>>) src(%arg9 : memref<256xf32, #tpu.memory_space<vmem>>) dst(%dma_wait3A_236 : memref<256xf32, #tpu.memory_space<hbm>>)
      tpu.yield
    }) : () -> ()
    return
  }
}

module attributes {stable_mosaic.version = 14 : i64} {
  func.func @_tc_body(%arg0: i32, %arg1: memref<1024x128xf32, #tpu.memory_space<vmem>>, %arg2: memref<1024xi32, #tpu.memory_space<vmem>>, %arg3: memref<1024x128xbf16, #tpu.memory_space<vmem>>, %arg4: memref<1024xf32, #tpu.memory_space<vmem>>) attributes {dimension_semantics = [#tpu.dimension_semantics<arbitrary>], iteration_bounds = array<i64: 8>, scalar_prefetch = 0 : i64, scratch_operands = 0 : i64, tpu.core_type = #tpu.core_type<tc>, window_params = [{transform_indices = @transform_0, window_bounds = array<i64: 1024, 128>}, {transform_indices = @transform_1, window_bounds = array<i64: 1024>}, {pipeline_mode = #tpu.pipeline_mode<synchronous>, transform_indices = @transform_2, window_bounds = array<i64: 1024, 128>}, {transform_indices = @transform_3, window_bounds = array<i64: 1024>}]} {
    %get3A = arith.constant 0 : index
    %get3A_0 = vector.load %arg2[%get3A] : memref<1024xi32, #tpu.memory_space<vmem>>, vector<1024xi32>
    %reshape3A = vector.shape_cast %get3A_0 : vector<1024xi32> to vector<1x1024xi32>
    %get3A_1 = arith.constant 0 : index
    %get3A_2 = arith.constant 0 : index
    %get3A_3 = vector.load %arg3[%get3A_1, %get3A_2] : memref<1024x128xbf16, #tpu.memory_space<vmem>>, vector<1024x128xbf16>
    %get3A_4 = arith.constant 0 : index
    %get3A_5 = arith.constant 0 : index
    %get3A_6 = vector.load %arg1[%get3A_4, %get3A_5] : memref<1024x128xf32, #tpu.memory_space<vmem>>, vector<1024x128xf32>
    %convert_element_type3A = arith.truncf %get3A_6 : vector<1024x128xf32> to vector<1024x128xbf16>
    %dot_general3A = arith.constant dense<0.000000e+00> : vector<1024x1024xf32>
    %dot_general3A_7 = tpu.matmul %get3A_3, %convert_element_type3A, %dot_general3A {dimension_numbers = #tpu.dot_dimension_numbers<[1], [1], [0], [0], [0, 0, 1, 0], [], []>, transpose_lhs_hint = false} : vector<1024x128xbf16>, vector<1024x128xbf16>, vector<1024x1024xf32> -> vector<1024x1024xf32>
    %iota3A = tpu.iota {dimensions = array<i32: 0>} : vector<1024x1024xi32>
    %eq3A = vector.broadcast %reshape3A : vector<1x1024xi32> to vector<1024x1024xi32>
    %eq3A_8 = arith.cmpi eq, %iota3A, %eq3A : vector<1024x1024xi32>
    %jit3A = arith.constant 0.000000e+00 : f32
    %broadcast_in_dim3A = vector.broadcast %jit3A : f32 to vector<1024x1024xf32>
    %select_n3A = arith.select %eq3A_8, %dot_general3A_7, %broadcast_in_dim3A : vector<1024x1024xi1>, vector<1024x1024xf32>
    %reduce_sum3A = arith.constant dense<0.000000e+00> : vector<1024xf32>
    %reduce_sum3A_9 = vector.multi_reduction <add>, %select_n3A, %reduce_sum3A [0] : vector<1024x1024xf32> to vector<1024xf32>
    %swap3A = arith.constant 0 : index
    %swap3A_10 = vector.load %arg4[%swap3A] : memref<1024xf32, #tpu.memory_space<vmem>>, vector<1024xf32>
    tpu.vector_store %arg4[%swap3A], %reduce_sum3A_9 {strides = array<i32>} : memref<1024xf32, #tpu.memory_space<vmem>>, vector<1024xf32>,
    return
  }
  func.func @transform_0(%arg0: i32) -> (i32, i32) {
    %add3A = arith.constant 8 : i32
    %add3A_0 = arith.addi %add3A, %arg0 : i32
    %c0_i32 = arith.constant 0 : i32
    %c0_i32_1 = arith.constant 0 : i32
    return %add3A_0, %c0_i32 : i32, i32
  }
  func.func @transform_1(%arg0: i32) -> i32 {
    %add3A = arith.constant 8 : i32
    %add3A_0 = arith.addi %add3A, %arg0 : i32
    %c0_i32 = arith.constant 0 : i32
    return %add3A_0 : i32
  }
  func.func @transform_2(%arg0: i32) -> (i32, i32) {
    %c0_i32 = arith.constant 0 : i32
    %c0_i32_0 = arith.constant 0 : i32
    %c0_i32_1 = arith.constant 0 : i32
    return %c0_i32, %c0_i32_0 : i32, i32
  }
  func.func @transform_3(%arg0: i32) -> i32 {
    %c0_i32 = arith.constant 0 : i32
    return %arg0 : i32
  }
}

</mosaic_0001>

<sc_bundles>
// kernel: kernel.4.cloned.1.call-start
scs
__scs_entry_jumppad:
0x0: {  	(pc) =	sbr.rel $0x88, $3  }
0x1: {  	(tag) =	ssettag $0x0;
	lr =	simm.s32 $0x1  }
0x2: {  	[smem:$0x3F9E] =	sst lr;
	_ =	strace $0xD0000000  }
0x3: {  	_ = 	snop  }
0x4: {  	_ = 	snop  }
0x5: {  	_ = 	snop  }
0x6: {  	_ = 	snop  }
0x7: {  	_ = 	snop  }
__scs_overlays_trampoline_lowered:
0x8: {  	[smem:$0x3FAD] =	sst s0  }
0x9: {  	[smem:$0x3FAE] =	sst s1  }
0xa: {  	[smem:$0x3FAF] =	sst s2  }
0xb: {  	[smem:$0x3FB0] =	sst s3  }
0xc: {  	[smem:$0x3FB1] =	sst s4  }
0xd: {  	[smem:$0x3FB2] =	sst s5  }
0xe: {  	[smem:$0x3FB3] =	sst s6  }
0xf: {  	[smem:$0x3FB4] =	sst s7  }
0x10: {  	[smem:$0x3FB5] =	sst s8  }
0x11: {  	[smem:$0x3FB6] =	sst s9;
	s0 =	simm.s32 @!p0 $0x0  }
0x12: {  	s1 =	sld [smem:$0x3F9C];
	s0 =	simm.s32 @p0 $0x1  }
0x13: {  	[smem:$0x3FB7] =	sst s0;
	s0 =	simm.s32 @!p1 $0x0  }
0x14: {  	s2 =	sld [smem:$0x3F9B];
	s0 =	simm.s32 @p1 $0x1  }
0x15: {  	[smem:$0x3FB8] =	sst s0;
	s0 =	simm.s32 @!p2 $0x0  }
0x16: {  	s3 =	sld [smem:$0x3FDB];
	s0 =	simm.s32 @p2 $0x1  }
0x17: {  	s4 =	simm.s32 $0x1BF5;
	[smem:$0x3FBA] =	sst s0  }
0x18: {  	s0 =	sld [smem:$0x3F9D];
	_ =	swait.ge [sflag:s4], $0x0  }
0x19: {  	s7 =	sld [smem:$0x3F9E]  }
0x1a: {  	s8 =	sadd.s32 $0xFFFFE003, lr  }
0x1b: {  	s9 =	sadd.s32 $0xFFFFFEF7, lr;
	s5 =	simm.s32 $0xFFFFFFFF;
	p2 =	slt.u32 s8, $0xFFFFF086  }
0x1c: {  	p1 =	slt.u32 s9, $0xF7A;
	s5 =	simm.s32 @!p2 $0x0  }
0x1d: {  	s5 =	simm.s32 @p1 $0x1;
	p0 =	seq.s32 s7, s2  }
0x1e: {  	s7 =	smul.u32 @!p0 $0xF7A, s2;
	p2 =	seq.s32 @!p0 s5, $0x0  }
0x1f: {  	s9 =	smul.u32 $0xF7A, s1;
	s8 =	simm.s32 @!p0 $0x1BF5;
	p2 =	por !p2, p0  }
0x20: {  	[sflag:s8] =	ssyncset.s32 @!p0 $0xFFFFF086;
	s6 =	sadd.s32 @!p0 s3, s7;
	s7 =	simm.s32 @!p0 $0x108  }
0x21: {  	s3 =	sadd.s32 s3, s9;
	s6 =	sadd.s32 @!p0 $0x88, s6;
	s7 =	simm.s32 @p2 $0x1082  }
0x22: {  	[simem:s7], [sflag:s8] =	dma.local @!p0 [hbm:s6], $0xF7A  }
0x23: {  	s9 =	sor.u32 $0xD0000000, s2;
	s6 =	simm.s32 $0x108;
	_ =	swait.ge @!p0 [sflag:s8], $0x0  }
0x24: {  	s3 =	sadd.s32 $0x88, s3;
	s6 =	simm.s32 @!p1 $0x1082;
	[sflag:s4] =	ssyncset.s32 $0xFFFFF086  }
0x25: {  	[simem:s6], [sflag:s4] =	dma.local [hbm:s3], $0xF7A  }
0x26: {  	[smem:$0x3F9E] =	sst s1;
	(tag) =	ssettag s2;
	_ =	strace s9  }
0x27: {  	s1 =	sld [smem:$0x3FAE]  }
0x28: {  	s2 =	sld [smem:$0x3FAF]  }
0x29: {  	s4 =	sld [smem:$0x3FB1]  }
0x2a: {  	p0 =	seq.s32 s5, $0x0;
	s5 =	sld [smem:$0x3FB2]  }
0x2b: {  	s6 =	sld [smem:$0x3FB3]  }
0x2c: {  	s7 =	sld [smem:$0x3FB4]  }
0x2d: {  	s3 =	simm.s32 $0x108;
	s8 =	sld [smem:$0x3FB5]  }
0x2e: {  	s3 =	simm.s32 @!p0 $0x1082;
	s9 =	sld [smem:$0x3FB6]  }
0x2f: {  	lr =	sadd.s32 s0, s3;
	s0 =	sld [smem:$0x3FAD]  }
0x30: {  	s3 =	sld [smem:$0x3FB0]  }
0x31: {  	[smem:$0x3FB9] =	sst s10  }
0x32: {  	s10 =	sld [smem:$0x3FB7];
	_ =	sdelay $0x3  }
0x33: {  	p0 =	seq.s32 s10, $0x1;
	s10 =	sld [smem:$0x3FB9];
	_ =	sdelay $0x3  }
0x34: {  	[smem:$0x3FB9] =	sst s10  }
0x35: {  	s10 =	sld [smem:$0x3FB8];
	_ =	sdelay $0x3  }
0x36: {  	p1 =	seq.s32 s10, $0x1;
	s10 =	sld [smem:$0x3FB9];
	_ =	sdelay $0x3  }
0x37: {  	[smem:$0x3FB9] =	sst s10  }
0x38: {  	s10 =	sld [smem:$0x3FBA]  }
0x39: {  	_ = 	snop;
	(pc) =	sbr.ind lr, $3  }
0x3a: {  	_ = 	snop  }
0x3b: {  	_ = 	snop  }
0x3c: {  	p2 =	seq.s32 s10, $0x1;
	s10 =	sld [smem:$0x3FB9]  }
0x3d: {  	_ =	shalt  }
0x3e: {  	_ =	shalt  }
0x3f: {  	_ =	shalt  }
0x40: {  	_ =	shalt  }
0x41: {  	_ =	shalt  }
0x42: {  	_ =	shalt  }
0x43: {  	_ =	shalt  }
0x44: {  	_ =	shalt  }
0x45: {  	_ =	shalt  }
0x46: {  	_ =	shalt  }
0x47: {  	_ =	shalt  }
0x48: {  	_ =	shalt  }
0x49: {  	_ =	shalt  }
0x4a: {  	_ =	shalt  }
0x4b: {  	_ =	shalt  }
0x4c: {  	_ =	shalt  }
0x4d: {  	_ =	shalt  }
0x4e: {  	_ =	shalt  }
0x4f: {  	_ =	shalt  }
0x50: {  	_ =	shalt  }
0x51: {  	_ =	shalt  }
0x52: {  	_ =	shalt  }
0x53: {  	_ =	shalt  }
0x54: {  	_ =	shalt  }
0x55: {  	_ =	shalt  }
0x56: {  	_ =	shalt  }
0x57: {  	_ =	shalt  }
0x58: {  	_ =	shalt  }
0x59: {  	_ =	shalt  }
0x5a: {  	_ =	shalt  }
0x5b: {  	_ =	shalt  }
0x5c: {  	_ =	shalt  }
0x5d: {  	_ =	shalt  }
0x5e: {  	_ =	shalt  }
0x5f: {  	_ =	shalt  }
0x60: {  	_ =	shalt  }
0x61: {  	_ =	shalt  }
0x62: {  	_ =	shalt  }
0x63: {  	_ =	shalt  }
0x64: {  	_ =	shalt  }
0x65: {  	_ =	shalt  }
0x66: {  	_ =	shalt  }
0x67: {  	_ =	shalt  }
0x68: {  	_ =	shalt  }
0x69: {  	_ =	shalt  }
0x6a: {  	_ =	shalt  }
0x6b: {  	_ =	shalt  }
0x6c: {  	_ =	shalt  }
0x6d: {  	_ =	shalt  }
0x6e: {  	_ =	shalt  }
0x6f: {  	_ =	shalt  }
0x70: {  	_ =	shalt  }
0x71: {  	_ =	shalt  }
0x72: {  	_ =	shalt  }
0x73: {  	_ =	shalt  }
0x74: {  	_ =	shalt  }
0x75: {  	_ =	shalt  }
0x76: {  	_ =	shalt  }
0x77: {  	_ =	shalt  }
0x78: {  	_ =	shalt  }
0x79: {  	_ =	shalt  }
0x7a: {  	_ =	shalt  }
0x7b: {  	_ =	shalt  }
0x7c: {  	_ =	shalt  }
0x7d: {  	_ =	shalt  }
0x7e: {  	_ =	shalt  }
0x7f: {  	_ =	shalt  }
0x80: {  	_ =	shalt  }
0x81: {  	_ =	shalt  }
0x82: {  	_ =	shalt  }
0x83: {  	_ =	shalt  }
0x84: {  	_ =	shalt  }
0x85: {  	_ =	shalt  }
0x86: {  	_ =	shalt  }
0x87: {  	_ =	shalt  }
.Lfunc_end0:
.L_simem_size_0:
called_computation_lowered:
.L_overlay_start_0:
0x88: {  	s2 =	sld [smem:$0x3FD9]  }
0x89: {  	s3 =	sld [smem:$0x3FFE];
	_ =	sdelay $0x1  }
0x8a: {  	s1 =	srdreg.scid  }
0x8b: {  	s0 =	sand.u32 $0x1, s1  }
0x8c: {  	s17 =	sshll.u32 s0, $0xA;
	s2 =	sadd.s32 s3, s2  }
0x8d: {  	s2 =	sadd.s32 s2, s17  }
0x8e: {  	[smem:$0x3FC5] =	sst s2  }
0x8f: {  	_ = 	snop  }
0x90: {  	s2 =	sld [smem:$0x3FC9]  }
0x91: {  	s18 =	sld [smem:$0x3FC8]  }
0x92: {  	s4 =	sld [smem:$0x3FC7];
	(tm) =	ssettm $0x1  }
0x93: {  	s5 =	sld [smem:$0x3FFB];
	_ =	sdelay $0x3  }
0x94: {  	_ =	strace s5  }
0x95: {  	s5 =	sld [smem:$0x3FFC];
	_ =	sdelay $0x3  }
0x96: {  	_ =	strace s5  }
0x97: {  	s5 =	sld [smem:$0x3FFD];
	_ =	sdelay $0x3  }
0x98: {  	_ =	strace s5  }
0x99: {  	_ =	strace $0x8FFFFFFF  }
0x9a: {  	s19 =	sld [smem:$0x3FDB];
	_ =	sdelay $0x1  }
0x9b: {  	s6 =	simm.s32 $_scs_section_size  }
0x9c: {  	s7 =	simm.s32 $_size__tile_overlayer_lowered;
	s8 =	simm.s32 $_tile_overlayer_lowered  }
0x9d: {  	s22 =	simm.s32 $0x1BFF;
	s21 =	sshll.u32 s8, $0x1;
	s5 =	sadd.s32 s6, s19  }
0x9e: {  	s9 =	simm.s32 $0x0;
	s20 =	sshll.u32 s7, $0x1;
	s7 =	sadd.s32 s21, s5  }
0x9f: {  	[timem:s9], [sflag:s22] =	dma.local [hbm:s7], s20  }
0xa0: {  	_ =	swait.ge [sflag:s22], s20  }
0xa1: {  	s6 =	ssub.s32 $0x0, s20;
	[sflag:s22] =	ssyncset.done $0x0  }
0xa2: {  	[sflag:s22] =	ssyncadd.s32 s6;
	_ =	sdelay $0x1  }
0xa3: {  	s23 =	simm.s32 $0x1B8B  }
0xa4: {  	_ =	swait.ge [sflag:s23], $0x1  }
0xa5: {  	[sflag:s23] =	ssyncset.done $0x0  }
0xa6: {  	s25 =	simm.s32 $0x1B8E;
	s24 =	sld [smem:$0x3FFE];
	[sflag:s23] =	ssyncadd.s32 $0xFFFFFFFF  }
0xa7: {  	s26 =	simm.s32 $execute0_lowered;
	[smem:$0x3FD2] =	sst s25  }
0xa8: {  	s7 =	sshll.u32 s26, $0x1;
	_ =	strace $0x80000046;
	[dreg:$0x1] =	wrdreg $0xFFFFFFFF  }
0xa9: {  	s28 =	simm.s32 $_size_execute0_lowered;
	s5 =	sadd.s32 s5, s7;
	[dreg:$0x0] =	wrdreg $0x0  }
0xaa: {  	s7 =	sshll.u32 s28, $0x1;
	[dreg:$0x2] =	wrdreg s5  }
0xab: {  	[dreg:$0x3] =	wrdreg s7  }
0xac: {  	[dreg:$0x4] =	wrdreg $0xC0  }
0xad: {  	_ =	task [dreg:s9], $0x5FFFF  }
0xae: {  	[dreg:$0x1] =	wrdreg $0xFFFFFFFF  }
0xaf: {  	[dreg:$0x0] =	wrdreg $0x60  }
0xb0: {  	[dreg:$0x2] =	wrdreg s2  }
0xb1: {  	[dreg:$0x3] =	wrdreg s18  }
0xb2: {  	[dreg:$0x4] =	wrdreg s4  }
0xb3: {  	[dreg:$0x5] =	wrdreg s24  }
0xb4: {  	[dreg:$0x6] =	wrdreg $0x103000  }
0xb5: {  	[dreg:$0x7] =	wrdreg $0x9  }
0xb6: {  	_ =	task.clear_ibuf [dreg:s9], $0x8FFFF;
	_ =	strace $0x90000046  }
0xb7: {  	s29 =	simm.s32 $0x9;
	_ =	strace $0x80000048  }
0xb8: {  	_ =	swait.ge [sflag:s29], $0x1  }
0xb9: {  	[sflag:s29] =	ssyncadd.s32 $0xFFFFFFFF  }
0xba: {  	_ =	strace $0x90000048  }
0xbb: {  	_ =	sfence  }
0xbc: {  	s30 =	sld [smem:$0x0];
	_ =	sdelay $0x2  }
0xbd: {  	s31 =	sshll.u32 s1, $0xD;
	s1 =	sshrl.u32 s1, $0x2  }
0xbe: {  	s3 =	sand.u32 $0x4000, s31;
	s1 =	sadd.s32 s1, s30  }
0xbf: {  	s0 =	sor.u32 s3, s0;
	s1 =	sshll.u32 s1, $0x11  }
0xc0: {  	s0 =	sor.u32 s1, s0  }
0xc1: {  	s0 =	sadd.s32 $0x8F2B, s0  }
0xc2: {  	[sflag:s0] =	ssyncadd.remote.s32 $0x1  }
0xc3: {  	_ =	sfence.sel $0xFFFF  }
0xc4: {  	[dreg:$0x0] =	wrdreg $0xFFFFFFFF;
	(pc) =	sbr.abs _section_cstart, $3  }
0xc5: {  	[dreg:$0x1] =	wrdreg $0xFFFFFFFF  }
0xc6: {  	_ =	task.clear_ibuf [dreg:s9], $0x2FFFF;
	_ =	strace $0x9FFFFFFF  }
0xc7: {  	(tm) =	ssettm $0x7FFFFFFF  }
tec
execute0_lowered:
.L_overlay_start_1:
0x0: {  	(tag) =	ssettag $0x1  }
0x1: {  	s1 =	rddreg [dreg:$0x0]  }
0x2: {  	s5 =	rddreg [dreg:$0x1]  }
0x3: {  	s13 =	rddreg [dreg:$0x2]  }
0x4: {  	s4 =	rddreg [dreg:$0x3]  }
0x5: {  	s2 =	rddreg [dreg:$0x4]  }
0x6: {  	s3 =	srdreg.scid;
	s0 =	stileid.u32  }
0x7: {  	s17 =	simm.s32 $0x80;
	s28 =	simm.s32 $0x2;
	s30 =	simm.s32 $0x4100  }
0x8: {  	s31 =	simm.s32 $0x3;
	s6 =	sand.u32 $0x1, s3;
	s3 =	simm.s32 $0x0  }
0x9: {  	s7 =	sshll.u32 s0, $0x9;
	s11 =	sadd.s32 $0x3800, s13;
	s12 =	sadd.s32 $0x3000, s13  }
0xa: {  	s14 =	sadd.s32 $0x2800, s13;
	s18 =	sadd.s32 $0x10000, s2;
	s25 =	sadd.s32 $0x2000, s13  }
0xb: {  	s19 =	sadd.s32 $0xC000, s2;
	s26 =	sadd.s32 $0x1800, s13;
	s20 =	sadd.s32 $0x8000, s2  }
0xc: {  	s29 =	sadd.s32 $0x1000, s13;
	s21 =	sadd.s32 $0x4000, s2;
	s13 =	sadd.s32 $0x800, s13  }
0xd: {  	p3 =	sgt.s32 s0, $0x1;
	s8 =	sshll.u32 s6, $0x8;
	[smem:$0x7FF] =	sst s3  }
0xe: {  	s6 =	ssub.s32 $0x2, s6;
	p0 =	seq.s32 @p3 s0, $0x2;
	p2 =	seq.s32 @!p3 s0, $0x0  }
0xf: {  	s7 =	sor.u32 s8, s7;
	_ =	strace $0x80000047;
	[dreg:$0x8] =	wrdreg s14  }
0x10: {  	[dreg:$0xc] =	wrdreg s13;
	p1 =	por p0, !p3;
	p4 =	por !p0, !p3  }
0x11: {  	s8 =	sshrl.u32 s7, $0x3;
	s10 =	sor.u32 $0x80, s7;
	s7 =	sshll.u32 s7, $0x4  }
0x12: {  	p1 =	seq.s32 @!p1 s0, $0x3;
	s24 =	sshrl.u32 s10, $0x3;
	s10 =	sshll.u32 s10, $0x4  }
0x13: {  	s13 =	sadd.s32 s1, s7;
	s14 =	sadd.s32 s1, s10;
	s1 =	simm.s32 @!p4 $0x0  }
0x14: {  	[dreg:$0x6] =	wrdreg s11;
	p0 =	por @p3 !p1, p0;
	s1 =	simm.s32 @p4 $0x1  }
0x15: {  	[smem:$0x7EE] =	sst s1;
	s1 =	sshrl.u32 @!p4 s20, $0x3;
	p4 =	por p0, !p3  }
0x16: {  	s23 =	sshrl.u32 s6, $0x1;
	[dreg:$0xd] =	wrdreg s1;
	s1 =	simm.s32 @!p4 $0x0  }
0x17: {  	[dreg:$0x7] =	wrdreg s12;
	p1 =	por p2, p3;
	s1 =	simm.s32 @p4 $0x1  }
0x18: {  	p0 =	por !p0, !p3;
	[smem:$0x7EF] =	sst s1;
	s1 =	sshrl.u32 @!p4 s19, $0x3  }
0x19: {  	p1 =	seq.s32 @!p1 s0, $0x1;
	[dreg:$0xe] =	wrdreg s1;
	s1 =	simm.s32 @!p0 $0x0  }
0x1a: {  	p1 =	por @!p3 !p1, p2;
	p2 =	por !p2, p3;
	s1 =	simm.s32 @p0 $0x1  }
0x1b: {  	s11 =	sadd.s32 $0x18000, s2;
	[smem:$0x7F0] =	sst s1;
	s1 =	simm.s32 @!p2 $0x0  }
0x1c: {  	[dreg:$0x9] =	wrdreg s25;
	p5 =	por p1, p3;
	s1 =	simm.s32 @p2 $0x1  }
0x1d: {  	s12 =	sadd.s32 $0x14000, s2;
	[smem:$0x7F1] =	sst s1;
	s1 =	simm.s32 @!p5 $0x0  }
0x1e: {  	[dreg:$0xa] =	wrdreg s26;
	p1 =	por !p1, p3;
	s1 =	simm.s32 @p5 $0x1  }
0x1f: {  	p4 =	sgt.s32 s0, $0x5;
	[smem:$0x7F2] =	sst s1;
	s1 =	sshrl.u32 @!p5 s21, $0x3  }
0x20: {  	p0 =	seq.s32 @p4 s0, $0x6;
	[dreg:$0xf] =	wrdreg s1;
	s1 =	simm.s32 @!p3 $0x0  }
0x21: {  	p2 =	por p0, !p4;
	p5 =	por !p0, !p4;
	s1 =	simm.s32 @p3 $0x1  }
0x22: {  	p3 =	sgt.s32 s0, $0x3;
	[smem:$0x7F3] =	sst s1;
	s1 =	simm.s32 @!p1 $0x0  }
0x23: {  	s1 =	simm.s32 @p1 $0x1;
	p1 =	seq.s32 @!p2 s0, $0x7;
	p2 =	seq.s32 @!p4 s0, $0x4  }
0x24: {  	[smem:$0x7F4] =	sst s1;
	p1 =	por @p4 !p1, p0;
	s1 =	simm.s32 @!p3 $0x0  }
0x25: {  	p0 =	por p2, p4;
	s1 =	simm.s32 @p3 $0x1;
	p3 =	sne.s32 s0, $0x0  }
0x26: {  	[dreg:$0xb] =	wrdreg s29;
	p0 =	seq.s32 @!p0 s0, $0x5;
	s0 =	simm.s32 @!p3 $0x0  }
0x27: {  	s6 =	ssub.s32 s6, s23;
	s9 =	sadd.s32 s8, s4;
	s0 =	simm.s32 @p3 $0x1  }
0x28: {  	s4 =	sadd.s32 s5, s8;
	[smem:$0x7F6] =	sst s0;
	s0 =	simm.s32 @!p5 $0x0  }
0x29: {  	s8 =	sadd.s32 $0x1C000, s2;
	p3 =	por p1, !p4;
	s0 =	simm.s32 @p5 $0x1  }
0x2a: {  	s16 =	smax.u32 s6, $0x1;
	[smem:$0x7F7] =	sst s0;
	s0 =	simm.s32 @!p3 $0x0  }
0x2b: {  	s6 =	simm.s32 $0x4;
	p1 =	por !p1, !p4;
	s0 =	simm.s32 @p3 $0x1  }
0x2c: {  	s7 =	simm.s32 $0x6;
	[smem:$0x7F8] =	sst s0;
	s0 =	simm.s32 @!p1 $0x0  }
0x2d: {  	p0 =	por @!p4 !p0, p2;
	p2 =	por !p2, p4;
	s0 =	simm.s32 @p1 $0x1  }
0x2e: {  	s5 =	sadd.s32 s5, s24;
	[smem:$0x7F9] =	sst s0;
	s0 =	simm.s32 @!p2 $0x0  }
0x2f: {  	s15 =	sadd.s32 $0xA00, s9;
	p1 =	por p0, p4;
	s0 =	simm.s32 @p2 $0x1  }
0x30: {  	s9 =	simm.s32 $0x7;
	[smem:$0x7FA] =	sst s0;
	s0 =	simm.s32 @!p1 $0x0  }
0x31: {  	s10 =	simm.s32 $0x0;
	[smem:$0x7F5] =	sst s1;
	s0 =	simm.s32 @p1 $0x1  }
0x32: {  	s22 =	sshrl.u32 @!p5 s11, $0x3;
	[smem:$0x7FB] =	sst s0;
	s0 =	simm.s32 @!p4 $0x0  }
0x33: {  	s1 =	simm.s32 $0x10200;
	p0 =	por !p0, p4;
	s0 =	simm.s32 @p4 $0x1  }
0x34: {  	s24 =	sshrl.u32 @!p2 s18, $0x3;
	[smem:$0x7FC] =	sst s0;
	s0 =	simm.s32 @!p0 $0x0  }
0x35: {  	v0 =	vlaneseq.u32;
	s23 =	sshrl.u32 @!p3 s8, $0x3;
	s8 =	simm.s32 $0x10100;
	s0 =	simm.s32 @p0 $0x1  }
0x36: {  	v0 =	vmul.u32 $0x10, v0;
	s25 =	sshrl.u32 @!p1 s12, $0x3;
	[smem:$0x7FD] =	sst s0;
	s0 =	simm.s32 $0x5  }
.LBB2_1:
0x37: {  	s11 =	sld [smem:$0x7F5];
	_ =	sdelay $0x2  }
0x38: {  	p0 =	seq.s32 s11, $0x1  }
.Ltmp0:
0x39: {  	_ = 	snop;
	(pc) =	sbr.rel @p0 .LBB2_3-.Ltmp0, $4  }
0x3a: {  	_ = 	snop  }
0x3b: {  	[tilespmem:s3], [sflag:$0x2] =	stream.linear.gather [hbm4b:s4+s3], $0x80, $0x38;
	[tilespmem:$0x12240] =	vst v63  }
0x3c: {  	_ = 	snop  }
0x3d: {  	[tilespmem:s17], [sflag:$0x2] =	stream.linear.gather [hbm4b:s5+s3], $0x80, $0x38;
	[tilespmem:$0x12240] =	vst v63  }
0x3e: {  	s11 =	sld [smem:$0x7EE];
	_ =	sdelay $0x2  }
0x3f: {  	s12 =	rddreg [dreg:$0xb];
	p5 =	seq.s32 s11, $0x1  }
0x40: {  	s18 =	rddreg [dreg:$0xd];
	s11 =	simm.s32 @!p5 $0x1C81  }
0x41: {  	[spmem:s18], [sflag:s11] =	dma.local @!p5 [hbm:s12], $0x800  }
0x42: {  	s11 =	sld [smem:$0x7EF];
	_ =	sdelay $0x2  }
0x43: {  	s12 =	rddreg [dreg:$0xa];
	p0 =	seq.s32 s11, $0x1  }
0x44: {  	s18 =	rddreg [dreg:$0xe];
	s11 =	simm.s32 @!p0 $0x1CC1  }
0x45: {  	[spmem:s18], [sflag:s11] =	dma.local @!p0 [hbm:s12], $0x800  }
0x46: {  	s29 =	sld [smem:$0x7F1]  }
0x47: {  	s11 =	sld [smem:$0x7F0];
	_ =	sdelay $0x1  }
0x48: {  	s18 =	rddreg [dreg:$0x2];
	p2 =	seq.s32 s29, $0x1  }
0x49: {  	p6 =	seq.s32 s11, $0x1;
	s11 =	sshrl.u32 @!p2 s2, $0x3;
	s12 =	simm.s32 @!p2 $0x1C01  }
0x4a: {  	[spmem:s11], [sflag:s12] =	dma.local @!p2 [hbm:s18], $0x800  }
0x4b: {  	s11 =	sld [smem:$0x7F2]  }
0x4c: {  	p4 =	por $0x0, $0x0;
	p1 =	por @!p0 $0x0, $0x0  }
0x4d: {  	p3 =	por @!p0 $0x1, $0x1;
	p1 =	por @!p6 p4, p4  }
0x4e: {  	p3 =	por @!p6 p4, p4;
	s12 =	rddreg [dreg:$0xc];
	p4 =	seq.s32 s11, $0x1  }
0x4f: {  	s18 =	rddreg [dreg:$0xf];
	s11 =	simm.s32 @!p4 $0x1C41  }
0x50: {  	[spmem:s18], [sflag:s11] =	dma.local @!p4 [hbm:s12], $0x800  }
0x51: {  	p6 =	por @!p5 $0x0, $0x0;
	p0 =	por p1, p1;
	s11 =	sld [smem:$0x7F4]  }
0x52: {  	p3 =	por @!p5 p6, p6;
	p0 =	por @!p5 p6, p6;
	p6 =	por @!p5 $0x1, $0x1  }
0x53: {  	p1 =	por @!p5 p6, p6;
	s12 =	sld [smem:$0x7F1]  }
0x54: {  	p5 =	por $0x0, $0x0;
	p6 =	por @!p4 $0x1, $0x1;
	p2 =	seq.s32 s11, $0x1  }
0x55: {  	p4 =	por @!p4 $0x0, $0x0;
	p6 =	por @!p2 p5, p5;
	p5 =	por $0x0, $0x0  }
0x56: {  	p4 =	por @!p2 p5, p5;
	p5 =	seq.s32 s12, $0x1  }
0x57: {  	p2 =	por @!p5 $0x0, $0x0  }
0x58: {  	s18 =	sld [smem:$0x7F1];
	p6 =	por @!p5 p2, p2  }
0x59: {  	s19 =	sld [smem:$0x7F1];
	s11 =	simm.s32 @!p6 $0x0  }
0x5a: {  	s20 =	sld [smem:$0x7F3];
	s11 =	simm.s32 @p6 $0x1  }
0x5b: {  	[smem:$0x7EB] =	sst s11;
	s11 =	simm.s32 @!p0 $0x0  }
0x5c: {  	p2 =	seq.s32 s18, $0x1;
	s11 =	simm.s32 @p0 $0x1;
	s21 =	sld [smem:$0x7EB]  }
0x5d: {  	p2 =	por @!p2 $0x0, $0x0;
	[smem:$0x7EC] =	sst s11  }
0x5e: {  	p6 =	seq.s32 s19, $0x1;
	s11 =	simm.s32 @!p0 $0x0;
	s26 =	sld [smem:$0x7EC]  }
0x5f: {  	p5 =	por p0, p0;
	p4 =	por @!p6 p2, p2;
	s11 =	simm.s32 @p0 $0x1  }
0x60: {  	p2 =	seq.s32 s20, $0x1;
	p6 =	seq.s32 s21, $0x1;
	[smem:$0x7ED] =	sst s11  }
0x61: {  	p5 =	por @!p2 p6, p6;
	s29 =	sld [smem:$0x7ED];
	p6 =	seq.s32 s26, $0x1  }
0x62: {  	p6 =	por @!p2 p4, p4  }
0x63: {  	s11 =	simm.s32 @!p6 $0x0  }
.Ltmp1:
0x64: {  	s11 =	simm.s32 @p6 $0x1;
	p6 =	seq.s32 s29, $0x1;
	(pc) =	sbr.rel .LBB2_4-.Ltmp1, $4  }
0x65: {  	p6 =	por @!p2 p4, p4  }
0x66: {  	p3 =	por @!p2 p4, p4;
	[smem:$0x7EC] =	sst s11;
	s11 =	simm.s32 @!p6 $0x0  }
0x67: {  	p1 =	por @!p2 p4, p4;
	s11 =	simm.s32 @p6 $0x1;
	p6 =	por p0, p0  }
0x68: {  	p0 =	por @!p2 p4, p4;
	[smem:$0x7ED] =	sst s11;
	p6 =	por @!p2 p4, p4  }
.LBB2_3:
0x69: {  	s11 =	sld [smem:$0x7F7];
	_ =	sdelay $0x2  }
0x6a: {  	p3 =	seq.s32 s11, $0x1  }
0x6b: {  	s12 =	rddreg [dreg:$0x7];
	s11 =	simm.s32 @!p3 $0x1D81  }
0x6c: {  	[spmem:s22], [sflag:s11] =	dma.local @!p3 [hbm:s12], $0x800  }
0x6d: {  	s11 =	sld [smem:$0x7F8];
	_ =	sdelay $0x2  }
0x6e: {  	p2 =	seq.s32 s11, $0x1  }
0x6f: {  	s12 =	rddreg [dreg:$0x6];
	s11 =	simm.s32 @!p2 $0x1DC1  }
0x70: {  	[spmem:s23], [sflag:s11] =	dma.local @!p2 [hbm:s12], $0x680  }
0x71: {  	s18 =	sld [smem:$0x7FA]  }
0x72: {  	s11 =	sld [smem:$0x7F9]  }
0x73: {  	p1 =	por $0x0, $0x0  }
0x74: {  	p0 =	por @!p2 $0x0, $0x0;
	p4 =	por @!p2 $0x1, $0x1;
	p5 =	seq.s32 s18, $0x1  }
0x75: {  	s12 =	rddreg [dreg:$0x9];
	p2 =	seq.s32 s11, $0x1;
	s11 =	simm.s32 @!p5 $0x1D01  }
0x76: {  	[spmem:s24], [sflag:s11] =	dma.local @!p5 [hbm:s12], $0x800  }
0x77: {  	p6 =	por @!p3 $0x0, $0x0;
	p4 =	por @!p2 p1, p1;
	s19 =	sld [smem:$0x7FB]  }
0x78: {  	p0 =	por @!p2 p1, p1;
	p4 =	por @!p3 p6, p6;
	s20 =	sld [smem:$0x7FD]  }
0x79: {  	p2 =	por @!p3 $0x0, $0x0;
	p6 =	por p0, p0;
	s11 =	simm.s32 @!p4 $0x0  }
0x7a: {  	p6 =	por @!p3 p2, p2;
	p2 =	por $0x0, $0x0;
	p1 =	seq.s32 s19, $0x1  }
0x7b: {  	s11 =	simm.s32 @p4 $0x1;
	p4 =	seq.s32 s20, $0x1;
	p1 =	por @!p1 $0x0, $0x0  }
0x7c: {  	s21 =	sld [smem:$0x7FB];
	p1 =	por @!p4 p2, p2  }
0x7d: {  	[smem:$0x7EC] =	sst s11;
	s11 =	simm.s32 @!p1 $0x0  }
0x7e: {  	s26 =	sld [smem:$0x7FD];
	s11 =	simm.s32 @p1 $0x1  }
0x7f: {  	[smem:$0x7EA] =	sst s11  }
0x80: {  	p2 =	por @!p3 $0x1, $0x1;
	s29 =	sld [smem:$0x7EA]  }
0x81: {  	s12 =	sld [smem:$0x7FB];
	p0 =	por @!p3 p2, p2;
	p2 =	seq.s32 s21, $0x1  }
0x82: {  	p4 =	seq.s32 s26, $0x1;
	p3 =	por @!p2 $0x1, $0x1;
	p2 =	por $0x0, $0x0  }
0x83: {  	p3 =	por @!p4 p2, p2;
	p4 =	por @!p5 $0x0, $0x0;
	p2 =	seq.s32 s29, $0x1  }
0x84: {  	p2 =	por @!p5 p4, p4  }
0x85: {  	s11 =	simm.s32 @!p2 $0x0  }
0x86: {  	s11 =	simm.s32 @p2 $0x1;
	p2 =	seq.s32 s12, $0x1;
	s12 =	rddreg [dreg:$0x8]  }
0x87: {  	[smem:$0x7EA] =	sst s11;
	s11 =	simm.s32 @!p2 $0x1D41  }
0x88: {  	[spmem:s25], [sflag:s11] =	dma.local @!p2 [hbm:s12], $0x800  }
0x89: {  	p2 =	por @!p5 $0x1, $0x1;
	s18 =	sld [smem:$0x7FC]  }
0x8a: {  	p3 =	por @!p5 p4, p4;
	p1 =	por @!p5 p2, p2  }
0x8b: {  	p4 =	por p6, p6;
	s20 =	sld [smem:$0x7EC];
	s11 =	simm.s32 @!p1 $0x0  }
0x8c: {  	s21 =	sld [smem:$0x7EA];
	s11 =	simm.s32 @p1 $0x1;
	p2 =	seq.s32 s18, $0x1  }
0x8d: {  	[smem:$0x7E8] =	sst s11;
	p4 =	por @!p2 p3, p3  }
0x8e: {  	s19 =	sld [smem:$0x7E8];
	s11 =	simm.s32 @!p4 $0x0  }
0x8f: {  	p5 =	por p6, p6;
	s29 =	sld [smem:$0x7EA];
	s11 =	simm.s32 @p4 $0x1  }
0x90: {  	p1 =	por p6, p6;
	[smem:$0x7ED] =	sst s11;
	s11 =	simm.s32 @!p6 $0x0  }
0x91: {  	p4 =	seq.s32 s20, $0x1;
	p3 =	seq.s32 s19, $0x1;
	s11 =	simm.s32 @p6 $0x1  }
0x92: {  	p6 =	por @!p2 p3, p3;
	p3 =	seq.s32 s21, $0x1;
	[smem:$0x7E9] =	sst s11  }
0x93: {  	p4 =	por @!p2 p3, p3;
	s26 =	sld [smem:$0x7E9]  }
0x94: {  	s11 =	simm.s32 @!p4 $0x0  }
0x95: {  	s11 =	simm.s32 @p4 $0x1;
	p4 =	seq.s32 s29, $0x1  }
0x96: {  	[smem:$0x7EC] =	sst s11;
	p5 =	por @!p2 p4, p4;
	p3 =	seq.s32 s26, $0x1  }
0x97: {  	p1 =	por @!p2 p4, p4;
	p0 =	por @!p2 p4, p4;
	p3 =	por @!p2 p4, p4  }
.LBB2_4:
0x98: {  	s11 =	simm.s32 $0x8100  }
0x99: {  	[tilespmem:s11], [sflag:$0x3] =	stream.linear.gather [hbm4b:s13+s3], $0x4000, $0x38;
	[tilespmem:$0x12240] =	vst v63  }
0x9a: {  	s20 =	simm.s32 $0xC100  }
0x9b: {  	[tilespmem:s20], [sflag:$0x4] =	stream.linear.gather [hbm4b:s14+s3], $0x4000, $0x38;
	[tilespmem:$0x12240] =	vst v63  }
0x9c: {  	_ =	swait.ge [sflag:s28], $0x80  }
0x9d: {  	[sflag:s28] =	ssyncset.done $0x0  }
0x9e: {  	[sflag:s28] =	ssyncadd.s32 $0xFFFFFF80  }
0x9f: {  	_ =	swait.ge [sflag:s28], $0x80  }
0xa0: {  	s21 =	sld [smem:$0x7F6];
	_ =	sdelay $0x2  }
0xa1: {  	[sflag:s28] =	ssyncset.done $0x0;
	p2 =	seq.s32 s21, $0x1  }
0xa2: {  	[sflag:s28] =	ssyncadd.s32 $0xFFFFFF80;
	s11 =	simm.s32 @!p2 $0x1  }
0xa3: {  	_ =	swait.ge @!p2 [sflag:s11], $0x800  }
0xa4: {  	[sflag:s11] =	ssyncset.done @!p2 $0x0  }
0xa5: {  	[sflag:s11] =	ssyncadd.s32 @!p2 $0xFFFFF800;
	s11 =	simm.s32 @p5 $0x1  }
0xa6: {  	_ =	swait.ge @p5 [sflag:s11], $0x800  }
0xa7: {  	[sflag:s11] =	ssyncset.done @p5 $0x0  }
0xa8: {  	[sflag:s11] =	ssyncadd.s32 @p5 $0xFFFFF800;
	s11 =	simm.s32 @p1 $0x1  }
0xa9: {  	_ =	swait.ge @p1 [sflag:s11], $0x800  }
0xaa: {  	[sflag:s11] =	ssyncset.done @p1 $0x0  }
0xab: {  	[sflag:s11] =	ssyncadd.s32 @p1 $0xFFFFF800;
	s11 =	simm.s32 @p3 $0x1  }
0xac: {  	_ =	swait.ge @p3 [sflag:s11], $0x800  }
0xad: {  	[sflag:s11] =	ssyncset.done @p3 $0x0  }
0xae: {  	[sflag:s11] =	ssyncadd.s32 @p3 $0xFFFFF800;
	s11 =	simm.s32 @p6 $0x1  }
0xaf: {  	_ =	swait.ge @p6 [sflag:s11], $0x800  }
0xb0: {  	s26 =	sld [smem:$0x7ED];
	_ =	sdelay $0x2  }
0xb1: {  	[sflag:s11] =	ssyncset.done @p6 $0x0;
	p1 =	seq.s32 s26, $0x1  }
0xb2: {  	[sflag:s11] =	ssyncadd.s32 @p6 $0xFFFFF800;
	s11 =	simm.s32 @p1 $0x1  }
0xb3: {  	_ =	swait.ge @p1 [sflag:s11], $0x800  }
0xb4: {  	[sflag:s11] =	ssyncset.done @p1 $0x0  }
0xb5: {  	[sflag:s11] =	ssyncadd.s32 @p1 $0xFFFFF800;
	s11 =	simm.s32 @p0 $0x1  }
0xb6: {  	_ =	swait.ge @p0 [sflag:s11], $0x800  }
0xb7: {  	s29 =	sld [smem:$0x7EC];
	_ =	sdelay $0x1  }
0xb8: {  	[sflag:s11] =	ssyncset.done @p0 $0x0  }
0xb9: {  	[sflag:s11] =	ssyncadd.s32 @p0 $0xFFFFF800;
	p0 =	seq.s32 s29, $0x1  }
0xba: {  	s11 =	simm.s32 @p0 $0x1  }
0xbb: {  	_ =	swait.ge @p0 [sflag:s11], $0x680  }
0xbc: {  	[sflag:s11] =	ssyncset.done @p0 $0x0  }
0xbd: {  	[sflag:s11] =	ssyncadd.s32 @p0 $0xFFFFF980  }
0xbe: {  	s12 =	simm.s32 $0x100;
	s11 =	simm.s32 $0x0;
	[bflag:$0x0] =	sbarrier.arrive $0xFFFF  }
0xbf: {  	[tilespmem:s12], [sflag:$0x5] =	stream.indirect.gather [spmem:s2], $0x80, s11, s17, $0xb8;
	[tilespmem:$0x12240] =	vst v63  }
0xc0: {  	_ = 	snop  }
0xc1: {  	[tilespmem:s30], [sflag:$0x6] =	stream.indirect.gather [spmem:s2], $0x80, s17, s17, $0xb8;
	[tilespmem:$0x12240] =	vst v63  }
0xc2: {  	_ =	swait.ge [sflag:s31], $0x4000  }
0xc3: {  	[sflag:s31] =	ssyncset.done $0x0  }
0xc4: {  	[sflag:s31] =	ssyncadd.s32 $0xFFFFC000  }
0xc5: {  	_ =	swait.ge [sflag:s0], $0x4000  }
0xc6: {  	s21 =	simm.s32 $0x0;
	[sflag:s0] =	ssyncset.done $0x0  }
0xc7: {  	s26 =	simm.s32 $0x8180;
	s12 =	simm.s32 $0x180;
	[sflag:s0] =	ssyncadd.s32 $0xFFFFC000  }
.LBB2_5:
0xc8: {  	v1 =	vld [tilespmem:s12+$0xFFFFFF80]  }
0xc9: {  	v2 =	vld [tilespmem:s26+$0xFFFFFF80]  }
0xca: {  	v3 =	vld [tilespmem:s26+$0xFFFFFF90]  }
0xcb: {  	v4 =	vld [tilespmem:s12+$0xFFFFFF90]  }
0xcc: {  	v5 =	vld [tilespmem:s12+$0xFFFFFFA0]  }
0xcd: {  	v6 =	vld [tilespmem:s26+$0xFFFFFFA0]  }
0xce: {  	v7 =	vld [tilespmem:s12+$0xFFFFFFB0]  }
0xcf: {  	v8 =	vld [tilespmem:s26+$0xFFFFFFB0]  }
0xd0: {  	v1 =	vmul.f32 v1, v2;
	v2 =	vmul.f32 v4, v3;
	v3 =	vld [tilespmem:s12+$0xFFFFFFC0]  }
0xd1: {  	v4 =	vld [tilespmem:s26+$0xFFFFFFC0]  }
0xd2: {  	v1 =	vadd.f32 v2, v1;
	v2 =	vmul.f32 v5, v6;
	v5 =	vld [tilespmem:s12+$0xFFFFFFD0]  }
0xd3: {  	v6 =	vld [tilespmem:s26+$0xFFFFFFD0]  }
0xd4: {  	v61 =	vld [tilespmem:s26+$0xFFFFFFE0];
	v1 =	vadd.f32 v2, v1;
	v2 =	vmul.f32 v7, v8  }
0xd5: {  	v7 =	vld [tilespmem:s12+$0xFFFFFFE0]  }
0xd6: {  	v1 =	vadd.f32 v2, v1;
	v2 =	vmul.f32 v3, v4;
	v3 =	vld [tilespmem:s12+$0xFFFFFFF0]  }
0xd7: {  	v4 =	vld [tilespmem:s26+$0xFFFFFFF0]  }
0xd8: {  	v1 =	vadd.f32 v2, v1;
	v2 =	vmul.f32 v5, v6;
	_ =	sdelay $0x1  }
0xd9: {  	v1 =	vadd.f32 v2, v1;
	v2 =	vmul.f32 v7, v61  }
0xda: {  	v5 =	vor.u32 s11, v0  }
0xdb: {  	v1 =	vadd.f32 v2, v1;
	v2 =	vmul.f32 v3, v4;
	_ =	sdelay $0x1  }
0xdc: {  	v1 =	vadd.f32 v2, v1;
	_ =	sdelay $0x1  }
0xdd: {  	[tilespmem:v5+s1+$0x0] =	vst.idx.msk $0xffff, v1  }
0xde: {  	v1 =	vld [tilespmem:s26+$0x0]  }
0xdf: {  	v2 =	vld [tilespmem:s26+$0x10]  }
0xe0: {  	v3 =	vld [tilespmem:s12+$0x0]  }
0xe1: {  	v4 =	vld [tilespmem:s12+$0x10]  }
0xe2: {  	v5 =	vld [tilespmem:s12+$0x20]  }
0xe3: {  	v6 =	vld [tilespmem:s26+$0x20]  }
0xe4: {  	v7 =	vld [tilespmem:s12+$0x30]  }
0xe5: {  	v62 =	vld [tilespmem:s26+$0x30]  }
0xe6: {  	v1 =	vmul.f32 v3, v1;
	v2 =	vmul.f32 v4, v2;
	v3 =	vld [tilespmem:s12+$0x40]  }
0xe7: {  	v4 =	vld [tilespmem:s26+$0x40]  }
0xe8: {  	v1 =	vadd.f32 v2, v1;
	v2 =	vmul.f32 v5, v6;
	_ =	sdelay $0x1  }
0xe9: {  	v5 =	vld [tilespmem:s12+$0x50];
	v1 =	vadd.f32 v2, v1;
	v2 =	vmul.f32 v7, v62  }
0xea: {  	v6 =	vld [tilespmem:s26+$0x50]  }
0xeb: {  	v63 =	vld [tilespmem:s26+$0x60];
	v1 =	vadd.f32 v2, v1;
	v2 =	vmul.f32 v3, v4  }
0xec: {  	v7 =	vld [tilespmem:s12+$0x60]  }
0xed: {  	v3 =	vadd.f32 v2, v1;
	v1 =	vld [tilespmem:s12+$0x70]  }
0xee: {  	v2 =	vld [tilespmem:s26+$0x70]  }
0xef: {  	v4 =	vmul.f32 v5, v6;
	_ =	sdelay $0x1  }
0xf0: {  	s18 =	simm.s32 $0x1;
	v5 =	vmul.f32 v7, v63;
	v4 =	vadd.f32 v4, v3  }
0xf1: {  	s19 =	simm.s32 $0x2;
	s20 =	smov.u32 s12;
	v3 =	vor.u32 s18, v0;
	s18 =	smov.u32 s26  }
.LBB2_6:
0xf2: {  	p6 =	slt.u32 s19, $0xE;
	v4 =	vadd.f32 v5, v4;
	v1 =	vmul.f32 v1, v2;
	s20 =	sadd.s32 $0x100, s20;
	s18 =	sadd.s32 $0x100, s18  }
0xf3: {  	s29 =	smov.u32 s19;
	s19 =	sadd.s32 $0x2, s19  }
0xf4: {  	v1 =	vadd.f32 v1, v4;
	_ =	sdelay $0x1  }
0xf5: {  	[tilespmem:v3+s1+$0x0] =	vst.idx.msk $0xffff, v1  }
0xf6: {  	v1 =	vld [tilespmem:s20+$0xFFFFFF80]  }
0xf7: {  	v2 =	vld [tilespmem:s18+$0xFFFFFF80]  }
0xf8: {  	v3 =	vld [tilespmem:s18+$0xFFFFFF90]  }
0xf9: {  	v4 =	vld [tilespmem:s20+$0xFFFFFF90]  }
0xfa: {  	v5 =	vld [tilespmem:s20+$0xFFFFFFA0]  }
0xfb: {  	v6 =	vld [tilespmem:s18+$0xFFFFFFA0]  }
0xfc: {  	v7 =	vld [tilespmem:s20+$0xFFFFFFB0]  }
0xfd: {  	v1 =	vmul.f32 v1, v2;
	v2 =	vld [tilespmem:s18+$0xFFFFFFB0]  }
0xfe: {  	v3 =	vmul.f32 v4, v3;
	v4 =	vld [tilespmem:s20+$0xFFFFFFC0]  }
0xff: {  	v8 =	vld [tilespmem:s18+$0xFFFFFFC0]  }
0x100: {  	v1 =	vadd.f32 v3, v1;
	v3 =	vmul.f32 v5, v6;
	v5 =	vld [tilespmem:s20+$0xFFFFFFD0]  }
0x101: {  	v6 =	vld [tilespmem:s18+$0xFFFFFFD0]  }
0x102: {  	v1 =	vadd.f32 v3, v1;
	v2 =	vmul.f32 v7, v2;
	v3 =	vld [tilespmem:s20+$0xFFFFFFE0]  }
0x103: {  	v7 =	vld [tilespmem:s18+$0xFFFFFFE0]  }
0x104: {  	v1 =	vadd.f32 v2, v1;
	v2 =	vmul.f32 v4, v8;
	v4 =	vld [tilespmem:s20+$0xFFFFFFF0]  }
0x105: {  	v8 =	vld [tilespmem:s18+$0xFFFFFFF0]  }
0x106: {  	v1 =	vadd.f32 v2, v1;
	v2 =	vmul.f32 v5, v6;
	_ =	sdelay $0x1  }
0x107: {  	v1 =	vadd.f32 v2, v1;
	v2 =	vmul.f32 v3, v7  }
0x108: {  	v3 =	vor.u32 s29, v0  }
0x109: {  	v1 =	vadd.f32 v2, v1;
	v2 =	vmul.f32 v4, v8;
	_ =	sdelay $0x1  }
0x10a: {  	v1 =	vadd.f32 v2, v1;
	_ =	sdelay $0x1  }
0x10b: {  	[tilespmem:v3+s1+$0x0] =	vst.idx.msk $0xffff, v1  }
0x10c: {  	v1 =	vld [tilespmem:s18+$0x0]  }
0x10d: {  	v2 =	vld [tilespmem:s18+$0x10]  }
0x10e: {  	v3 =	vld [tilespmem:s20+$0x0]  }
0x10f: {  	v4 =	vld [tilespmem:s20+$0x10]  }
0x110: {  	v5 =	vld [tilespmem:s20+$0x20]  }
0x111: {  	v6 =	vld [tilespmem:s18+$0x20]  }
0x112: {  	v7 =	vld [tilespmem:s20+$0x30]  }
0x113: {  	v1 =	vmul.f32 v3, v1;
	v3 =	vld [tilespmem:s18+$0x30]  }
0x114: {  	v2 =	vmul.f32 v4, v2;
	v4 =	vld [tilespmem:s20+$0x40]  }
0x115: {  	v8 =	vld [tilespmem:s18+$0x40]  }
0x116: {  	v1 =	vadd.f32 v2, v1;
	v2 =	vmul.f32 v5, v6;
	v5 =	vld [tilespmem:s20+$0x50]  }
0x117: {  	v6 =	vld [tilespmem:s18+$0x50]  }
0x118: {  	v1 =	vadd.f32 v2, v1;
	v2 =	vmul.f32 v7, v3;
	v3 =	vld [tilespmem:s20+$0x60]  }
0x119: {  	v7 =	vld [tilespmem:s18+$0x60]  }
0x11a: {  	v9 =	vadd.f32 v2, v1;
	v4 =	vmul.f32 v4, v8;
	v1 =	vld [tilespmem:s20+$0x70]  }
.Ltmp2:
0x11b: {  	v2 =	vld [tilespmem:s18+$0x70];
	(pc) =	sbr.rel @p6 .LBB2_6-.Ltmp2, $3  }
0x11c: {  	v4 =	vadd.f32 v4, v9;
	v5 =	vmul.f32 v5, v6;
	_ =	sdelay $0x1  }
0x11d: {  	s29 =	sadd.s32 $0x1, s29;
	v4 =	vadd.f32 v5, v4;
	v5 =	vmul.f32 v3, v7  }
0x11e: {  	v3 =	vor.u32 s29, v0  }
0x11f: {  	v4 =	vadd.f32 v5, v4;
	v1 =	vmul.f32 v1, v2;
	_ =	sdelay $0x1  }
0x120: {  	v1 =	vadd.f32 v1, v4;
	_ =	sdelay $0x1  }
0x121: {  	[tilespmem:v3+s1+$0x0] =	vst.idx.msk $0xffff, v1  }
0x122: {  	v1 =	vld [tilespmem:$0x10200]  }
0x123: {  	v2 =	vld [tilespmem:$0x10210];
	_ =	sdelay $0x1  }
0x124: {  	v3 =	vld [tilespmem:$0x10220];
	_ =	sdelay $0x1  }
0x125: {  	v59 =	vld [tilespmem:$0x10230]  }
0x126: {  	v1 =	vadd.f32 v2, v1  }
0x127: {  	v2 =	vld [tilespmem:$0x10240]  }
0x128: {  	v1 =	vadd.f32 v3, v1  }
0x129: {  	v3 =	vld [tilespmem:$0x10250]  }
0x12a: {  	v1 =	vadd.f32 v59, v1  }
0x12b: {  	v60 =	vld [tilespmem:$0x10260]  }
0x12c: {  	v1 =	vadd.f32 v2, v1  }
0x12d: {  	v2 =	vld [tilespmem:$0x10270]  }
0x12e: {  	v1 =	vadd.f32 v3, v1  }
0x12f: {  	v3 =	vld [tilespmem:$0x10280]  }
0x130: {  	v1 =	vadd.f32 v60, v1  }
0x131: {  	v61 =	vld [tilespmem:$0x10290]  }
0x132: {  	v1 =	vadd.f32 v2, v1  }
0x133: {  	v2 =	vld [tilespmem:$0x102A0]  }
0x134: {  	v1 =	vadd.f32 v3, v1  }
0x135: {  	v3 =	vld [tilespmem:$0x102B0]  }
0x136: {  	v1 =	vadd.f32 v61, v1  }
0x137: {  	v62 =	vld [tilespmem:$0x102C0]  }
0x138: {  	v1 =	vadd.f32 v2, v1  }
0x139: {  	v2 =	vld [tilespmem:$0x102D0]  }
0x13a: {  	v1 =	vadd.f32 v3, v1  }
0x13b: {  	v3 =	vld [tilespmem:$0x102E0]  }
0x13c: {  	v1 =	vadd.f32 v62, v1  }
0x13d: {  	v63 =	vld [tilespmem:$0x102F0]  }
0x13e: {  	s18 =	sshll.u32 s21, $0x4;
	s21 =	sadd.s32 $0x1, s21;
	v1 =	vadd.f32 v2, v1  }
0x13f: {  	p0 =	sne.s32 s21, $0x8  }
.Ltmp3:
0x140: {  	v1 =	vadd.f32 v3, v1;
	(pc) =	sbr.rel @p0 .LBB2_5-.Ltmp3, $4  }
0x141: {  	_ = 	snop  }
0x142: {  	v1 =	vadd.f32 v63, v1  }
0x143: {  	s18 =	sand.u32 $0x3FFFFFF0, s18  }
0x144: {  	s12 =	sadd.s32 $0x800, s12;
	s26 =	sadd.s32 $0x800, s26;
	[tilespmem:s18+$0x10100] =	vst v1  }
0x145: {  	_ =	swait.ge [sflag:s6], $0x4000  }
0x146: {  	[sflag:s6] =	ssyncset.done $0x0  }
0x147: {  	[sflag:s6] =	ssyncadd.s32 $0xFFFFC000  }
0x148: {  	_ =	swait.ge [sflag:s7], $0x4000  }
0x149: {  	s11 =	simm.s32 $0x0;
	[sflag:s7] =	ssyncset.done $0x0  }
0x14a: {  	s20 =	simm.s32 $0x0;
	s18 =	simm.s32 $0x0;
	[sflag:s7] =	ssyncadd.s32 $0xFFFFC000  }
.LBB2_9:
0x14b: {  	s12 =	sshra.s32 s20, $0x2  }
0x14c: {  	v1 =	vld [tilespmem:s12+$0x4110]  }
0x14d: {  	v2 =	vld [tilespmem:s12+$0x4100]  }
0x14e: {  	v3 =	vld [tilespmem:s12+$0xC100]  }
0x14f: {  	v4 =	vld [tilespmem:s12+$0xC110]  }
0x150: {  	v5 =	vld [tilespmem:s12+$0x4120]  }
0x151: {  	v6 =	vld [tilespmem:s12+$0xC120]  }
0x152: {  	v7 =	vld [tilespmem:s12+$0x4130]  }
0x153: {  	v8 =	vld [tilespmem:s12+$0xC130]  }
0x154: {  	v2 =	vmul.f32 v2, v3;
	v1 =	vmul.f32 v1, v4;
	v3 =	vld [tilespmem:s12+$0x4140]  }
0x155: {  	v4 =	vld [tilespmem:s12+$0xC140]  }
0x156: {  	v1 =	vadd.f32 v1, v2;
	v2 =	vmul.f32 v5, v6;
	v5 =	vld [tilespmem:s12+$0x4150]  }
0x157: {  	v6 =	vld [tilespmem:s12+$0xC150]  }
0x158: {  	v1 =	vadd.f32 v2, v1;
	v2 =	vmul.f32 v7, v8;
	v7 =	vld [tilespmem:s12+$0x4160]  }
0x159: {  	v8 =	vld [tilespmem:s12+$0xC160]  }
0x15a: {  	v1 =	vadd.f32 v2, v1;
	v2 =	vmul.f32 v3, v4;
	v3 =	vld [tilespmem:s12+$0x4170]  }
0x15b: {  	v4 =	vld [tilespmem:s12+$0xC170]  }
0x15c: {  	v1 =	vadd.f32 v2, v1;
	v2 =	vmul.f32 v5, v6;
	_ =	sdelay $0x1  }
0x15d: {  	v1 =	vadd.f32 v2, v1;
	v2 =	vmul.f32 v7, v8  }
0x15e: {  	v5 =	vor.u32 s11, v0  }
0x15f: {  	v1 =	vadd.f32 v2, v1;
	v2 =	vmul.f32 v3, v4;
	_ =	sdelay $0x1  }
0x160: {  	v1 =	vadd.f32 v2, v1;
	_ =	sdelay $0x1  }
0x161: {  	[tilespmem:v5+s1+$0x0] =	vst.idx.msk $0xffff, v1  }
0x162: {  	v1 =	vld [tilespmem:s12+$0xC180]  }
0x163: {  	v2 =	vld [tilespmem:s12+$0x4190]  }
0x164: {  	v3 =	vld [tilespmem:s12+$0xC190]  }
0x165: {  	v4 =	vld [tilespmem:s12+$0x4180]  }
0x166: {  	v5 =	vld [tilespmem:s12+$0xC1A0]  }
0x167: {  	v6 =	vld [tilespmem:s12+$0x41A0]  }
0x168: {  	v7 =	vld [tilespmem:s12+$0xC1B0]  }
0x169: {  	v8 =	vld [tilespmem:s12+$0x41B0]  }
0x16a: {  	v9 =	vld [tilespmem:s12+$0x41C0];
	v1 =	vmul.f32 v4, v1;
	v2 =	vmul.f32 v2, v3  }
0x16b: {  	v4 =	vld [tilespmem:s12+$0xC1C0]  }
0x16c: {  	v10 =	vld [tilespmem:s12+$0x41D0];
	v1 =	vadd.f32 v2, v1;
	v2 =	vmul.f32 v6, v5  }
0x16d: {  	v6 =	vld [tilespmem:s12+$0xC1D0]  }
0x16e: {  	v5 =	vmul.f32 v8, v7;
	v1 =	vadd.f32 v2, v1  }
0x16f: {  	v3 =	vld [tilespmem:s12+$0x41E0]  }
0x170: {  	v2 =	vld [tilespmem:s12+$0xC1E0];
	v7 =	vmul.f32 v9, v4;
	v5 =	vadd.f32 v5, v1  }
0x171: {  	v4 =	vld [tilespmem:s12+$0x41F0]  }
0x172: {  	s19 =	simm.s32 $0x2;
	s21 =	simm.s32 $0x0;
	v1 =	vld [tilespmem:s12+$0xC1F0];
	s12 =	smov.u32 s20;
	v6 =	vmul.f32 v10, v6;
	v5 =	vadd.f32 v7, v5  }
.LBB2_10:
0x173: {  	p6 =	slt.u32 s19, $0xE  }
0x174: {  	s12 =	sadd.s32 $0x400, s12;
	s26 =	smov.u32 s19;
	s19 =	sadd.s32 $0x2, s19  }
0x175: {  	s29 =	sadd.s32 $0x1, s21;
	v5 =	vadd.f32 v6, v5;
	v2 =	vmul.f32 v3, v2;
	s21 =	smov.u32 s26  }
0x176: {  	v3 =	vor.u32 s29, v0  }
0x177: {  	v2 =	vadd.f32 v2, v5;
	v1 =	vmul.f32 v4, v1;
	_ =	sdelay $0x1  }
0x178: {  	v1 =	vadd.f32 v1, v2  }
0x179: {  	s26 =	sshra.s32 s12, $0x2  }
0x17a: {  	[tilespmem:v3+s1+$0x0] =	vst.idx.msk $0xffff, v1  }
0x17b: {  	v1 =	vld [tilespmem:s26+$0x4110]  }
0x17c: {  	v2 =	vld [tilespmem:s26+$0x4100]  }
0x17d: {  	v3 =	vld [tilespmem:s26+$0xC100]  }
0x17e: {  	v4 =	vld [tilespmem:s26+$0xC110]  }
0x17f: {  	v5 =	vld [tilespmem:s26+$0x4120]  }
0x180: {  	v6 =	vld [tilespmem:s26+$0xC120]  }
0x181: {  	v7 =	vld [tilespmem:s26+$0x4130]  }
0x182: {  	v8 =	vld [tilespmem:s26+$0xC130]  }
0x183: {  	v2 =	vmul.f32 v2, v3;
	v1 =	vmul.f32 v1, v4;
	v3 =	vld [tilespmem:s26+$0x4140]  }
0x184: {  	v4 =	vld [tilespmem:s26+$0xC140]  }
0x185: {  	v1 =	vadd.f32 v1, v2;
	v2 =	vmul.f32 v5, v6;
	v5 =	vld [tilespmem:s26+$0x4150]  }
0x186: {  	v6 =	vld [tilespmem:s26+$0xC150]  }
0x187: {  	v1 =	vadd.f32 v2, v1;
	v2 =	vmul.f32 v7, v8;
	v7 =	vld [tilespmem:s26+$0x4160]  }
0x188: {  	v8 =	vld [tilespmem:s26+$0xC160]  }
0x189: {  	v1 =	vadd.f32 v2, v1;
	v2 =	vmul.f32 v3, v4;
	v3 =	vld [tilespmem:s26+$0x4170]  }
0x18a: {  	v4 =	vld [tilespmem:s26+$0xC170]  }
0x18b: {  	v1 =	vadd.f32 v2, v1;
	v2 =	vmul.f32 v5, v6;
	_ =	sdelay $0x1  }
0x18c: {  	v1 =	vadd.f32 v2, v1;
	v2 =	vmul.f32 v7, v8  }
0x18d: {  	v5 =	vor.u32 s21, v0  }
0x18e: {  	v1 =	vadd.f32 v2, v1;
	v2 =	vmul.f32 v3, v4;
	_ =	sdelay $0x1  }
0x18f: {  	v1 =	vadd.f32 v2, v1;
	_ =	sdelay $0x1  }
0x190: {  	[tilespmem:v5+s1+$0x0] =	vst.idx.msk $0xffff, v1  }
0x191: {  	v1 =	vld [tilespmem:s26+$0xC180]  }
0x192: {  	v2 =	vld [tilespmem:s26+$0x4190]  }
0x193: {  	v3 =	vld [tilespmem:s26+$0xC190]  }
0x194: {  	v4 =	vld [tilespmem:s26+$0x4180]  }
0x195: {  	v5 =	vld [tilespmem:s26+$0xC1A0]  }
0x196: {  	v6 =	vld [tilespmem:s26+$0x41A0]  }
0x197: {  	v7 =	vld [tilespmem:s26+$0xC1B0]  }
0x198: {  	v8 =	vld [tilespmem:s26+$0x41B0]  }
0x199: {  	v2 =	vmul.f32 v2, v3;
	v1 =	vmul.f32 v4, v1;
	v4 =	vld [tilespmem:s26+$0xC1C0]  }
0x19a: {  	v9 =	vld [tilespmem:s26+$0x41C0]  }
0x19b: {  	v1 =	vadd.f32 v2, v1;
	v2 =	vmul.f32 v6, v5;
	v6 =	vld [tilespmem:s26+$0xC1D0]  }
0x19c: {  	v10 =	vld [tilespmem:s26+$0x41D0]  }
.Ltmp4:
0x19d: {  	v1 =	vadd.f32 v2, v1;
	v5 =	vmul.f32 v8, v7;
	v2 =	vld [tilespmem:s26+$0xC1E0];
	(pc) =	sbr.rel @p6 .LBB2_10-.Ltmp4, $4  }
0x19e: {  	v3 =	vld [tilespmem:s26+$0x41E0]  }
0x19f: {  	v5 =	vadd.f32 v5, v1;
	v7 =	vmul.f32 v9, v4;
	v1 =	vld [tilespmem:s26+$0xC1F0]  }
0x1a0: {  	v4 =	vld [tilespmem:s26+$0x41F0]  }
0x1a1: {  	v5 =	vadd.f32 v7, v5;
	v6 =	vmul.f32 v10, v6  }
0x1a2: {  	_ = 	snop  }
0x1a3: {  	s12 =	sadd.s32 $0x1, s21;
	v5 =	vadd.f32 v6, v5;
	v2 =	vmul.f32 v3, v2  }
0x1a4: {  	v3 =	vor.u32 s12, v0  }
0x1a5: {  	v2 =	vadd.f32 v2, v5;
	v1 =	vmul.f32 v4, v1;
	_ =	sdelay $0x1  }
0x1a6: {  	v1 =	vadd.f32 v1, v2;
	_ =	sdelay $0x1  }
0x1a7: {  	[tilespmem:v3+s1+$0x0] =	vst.idx.msk $0xffff, v1  }
0x1a8: {  	v1 =	vld [tilespmem:$0x10200]  }
0x1a9: {  	v2 =	vld [tilespmem:$0x10210];
	_ =	sdelay $0x1  }
0x1aa: {  	v3 =	vld [tilespmem:$0x10220];
	_ =	sdelay $0x1  }
0x1ab: {  	v59 =	vld [tilespmem:$0x10230]  }
0x1ac: {  	v1 =	vadd.f32 v2, v1  }
0x1ad: {  	v2 =	vld [tilespmem:$0x10240]  }
0x1ae: {  	v1 =	vadd.f32 v3, v1  }
0x1af: {  	v3 =	vld [tilespmem:$0x10250]  }
0x1b0: {  	v1 =	vadd.f32 v59, v1  }
0x1b1: {  	v60 =	vld [tilespmem:$0x10260]  }
0x1b2: {  	v1 =	vadd.f32 v2, v1  }
0x1b3: {  	v2 =	vld [tilespmem:$0x10270]  }
0x1b4: {  	v1 =	vadd.f32 v3, v1  }
0x1b5: {  	v3 =	vld [tilespmem:$0x10280]  }
0x1b6: {  	v1 =	vadd.f32 v60, v1  }
0x1b7: {  	v61 =	vld [tilespmem:$0x10290]  }
0x1b8: {  	v1 =	vadd.f32 v2, v1  }
0x1b9: {  	v2 =	vld [tilespmem:$0x102A0]  }
0x1ba: {  	v1 =	vadd.f32 v3, v1  }
0x1bb: {  	v3 =	vld [tilespmem:$0x102B0]  }
0x1bc: {  	v1 =	vadd.f32 v61, v1  }
0x1bd: {  	v62 =	vld [tilespmem:$0x102C0]  }
0x1be: {  	v1 =	vadd.f32 v2, v1  }
0x1bf: {  	v2 =	vld [tilespmem:$0x102D0]  }
0x1c0: {  	v1 =	vadd.f32 v3, v1  }
0x1c1: {  	v3 =	vld [tilespmem:$0x102E0]  }
0x1c2: {  	v1 =	vadd.f32 v62, v1  }
0x1c3: {  	v63 =	vld [tilespmem:$0x102F0]  }
0x1c4: {  	s29 =	sshll.u32 s18, $0x4;
	s18 =	sadd.s32 $0x1, s18;
	v1 =	vadd.f32 v2, v1  }
0x1c5: {  	p0 =	sne.s32 s18, $0x8  }
.Ltmp5:
0x1c6: {  	v1 =	vadd.f32 v3, v1;
	(pc) =	sbr.rel @p0 .LBB2_9-.Ltmp5, $4  }
0x1c7: {  	_ = 	snop  }
0x1c8: {  	v1 =	vadd.f32 v63, v1  }
0x1c9: {  	s12 =	sand.u32 $0x3FFFFFF0, s29  }
0x1ca: {  	s20 =	sadd.s32 $0x2000, s20;
	[tilespmem:s12+$0x10180] =	vst v1  }
0x1cb: {  	s10 =	sadd.s32 $0x1, s10  }
0x1cc: {  	p0 =	sne.s32 s10, s16  }
.Ltmp6:
0x1cd: {  	_ = 	snop;
	(pc) =	sbr.rel @p0 .LBB2_1-.Ltmp6, $4  }
0x1ce: {  	[hbm4b:s15+s3] =	stream.linear.scatter [tilespmem:s8], [sflag:$0x7], $0x100, $0x38;
	[tilespmem:$0x12240] =	vst v63  }
0x1cf: {  	_ =	swait.ge [sflag:s9], $0x100  }
0x1d0: {  	[sflag:s9] =	ssyncset.done $0x0  }
0x1d1: {  	[sflag:s9] =	ssyncadd.s32 $0xFFFFFF00  }
0x1d2: {  	_ =	sfence.sel $0x180000  }
0x1d3: {  	[bflag:$0x0] =	sbarrier.arrive $0xFFFF  }
0x1d4: {  	_ =	strace $0x90000047  }
0x1d5: {  	[bflag:$0x2] =	sbarrier.arrive $0xFFFF  }
0x1d6: {  	s1 =	sld [smem:$0x7F6];
	_ =	sdelay $0x2  }
0x1d7: {  	s0 =	rddreg [dreg:$0x5];
	p0 =	seq.s32 s1, $0x1  }
0x1d8: {  	s0 =	sadd.s32 @!p0 $0x100000, s0  }
0x1d9: {  	[sflag:s0] =	ssyncadd.tile.s32 @!p0 $0x1;
	_ =	shalt  }
.Lfunc_end2:
_tile_overlayer_lowered:
.L_overlay_start_2:
0x1da: {  	(tag) =	ssettag $0x2  }
0x1db: {  	s0 =	rddreg [dreg:$0x0];
	s2 =	stileid.u32  }
0x1dc: {  	s1 =	rddreg [dreg:$0x1];
	p0 =	sne.s32 s2, $0x0  }
0x1dd: {  	s3 =	rddreg [dreg:$0x2];
	[bflag:$0x3] =	sbarrier.arrive $0xFFFF;
	s2 =	simm.s32 @!p0 $0x1C07  }
0x1de: {  	[timem:s3], [sflag:s2] =	dma.local @!p0 [hbm:s0], s1  }
0x1df: {  	s0 =	simm.s32 @!p0 $0x7  }
0x1e0: {  	_ =	swait.ge @!p0 [sflag:s0], s1  }
0x1e1: {  	s1 =	ssub.s32 @!p0 $0x0, s1;
	[sflag:s0] =	ssyncset.done @!p0 $0x0  }
0x1e2: {  	[sflag:s0] =	ssyncadd.s32 @!p0 s1  }
0x1e3: {  	[bflag:$0x3] =	sbarrier.arrive $0xFFFF  }
0x1e4: {  	_ =	shalt  }

</sc_bundles>
